<compile_context>
chip_gen: v7x
topology: tpu7x:2x2x1
jax: 0.10.2.dev20260603
libtpu: 0.0.44.dev20260713+nightly
codegen_flags: <defaults>
</compile_context>

<pallas_src>
import functools

import jax
import jax.numpy as jnp
from jax import lax
from jax.experimental import pallas as pl
from jax.experimental.pallas import tpu as pltpu
from jax.experimental.pallas import tpu_sc as plsc

N = 4096
H = 64
K0 = 2048
K1 = 1024
ALPHA = 0.2
NEG = -9e15
f32 = jnp.float32
HIGHEST = jax.lax.Precision.HIGHEST



def _c2r_body(col_ref, row_ref):
    j = pl.program_id(0)
    m, b = col_ref.shape[0], row_ref.shape[1]
    ids = jax.lax.broadcasted_iota(jnp.int32, (m, b), 0)
    tgt = j * b + jax.lax.broadcasted_iota(jnp.int32, (m, b), 1)
    v = col_ref[...]
    sel = jnp.where(ids == tgt, v, jnp.zeros_like(v))
    row_ref[...] = jnp.sum(sel, axis=0, keepdims=True)


def _col_to_row(v):
    m = v.shape[0]
    b = min(m, 512)
    return pl.pallas_call(
        _c2r_body,
        grid=(m // b,),
        in_specs=[pl.BlockSpec((m, 1), lambda j: (0, 0))],
        out_specs=pl.BlockSpec((1, b), lambda j: (0, j)),
        out_shape=jax.ShapeDtypeStruct((1, m), v.dtype),
    )(v)


def _r2c_body(row_ref, col_ref):
    i = pl.program_id(0)
    b, m = col_ref.shape[0], row_ref.shape[1]
    ids = jax.lax.broadcasted_iota(jnp.int32, (b, m), 1)
    tgt = i * b + jax.lax.broadcasted_iota(jnp.int32, (b, m), 0)
    v = row_ref[...]
    sel = jnp.where(ids == tgt, v, jnp.zeros_like(v))
    col_ref[...] = jnp.sum(sel, axis=1, keepdims=True)


def _row_to_col(v):
    m = v.shape[1]
    b = min(m, 512)
    return pl.pallas_call(
        _r2c_body,
        grid=(m // b,),
        in_specs=[pl.BlockSpec((1, m), lambda i: (0, 0))],
        out_specs=pl.BlockSpec((b, 1), lambda i: (i, 0)),
        out_shape=jax.ShapeDtypeStruct((m, 1), v.dtype),
    )(v)



def _prep_body(x_ref, w_ref, a_ref, wh_ref, f_ref):
    wh = jnp.dot(x_ref[...], w_ref[...], preferred_element_type=f32)
    wh_ref[...] = wh
    f_ref[...] = jnp.dot(wh, a_ref[...], preferred_element_type=f32)


def _prep(x, W, A):
    n = x.shape[0]
    return pl.pallas_call(
        _prep_body,
        out_shape=(jax.ShapeDtypeStruct((n, H), f32),
                   jax.ShapeDtypeStruct((n, 2), f32)),
    )(x, W, A)


def _logits(adj_ref, f1_ref, f2_ref):
    e = f1_ref[...] + f2_ref[...]
    e = jnp.where(e >= 0, e, ALPHA * e)
    return jnp.where(adj_ref[...] > 0, e, f32(NEG))


def _gat_online_body(adj_ref, f1_ref, f2_ref, whj_ref, o_ref, m_ref, s_ref):
    j = pl.program_id(1)
    nj = pl.num_programs(1)

    @pl.when(j == 0)
    def _():
        m_ref[...] = jnp.full(m_ref.shape, -jnp.inf, f32)
        s_ref[...] = jnp.zeros(s_ref.shape, f32)
        o_ref[...] = jnp.zeros(o_ref.shape, f32)

    logit = _logits(adj_ref, f1_ref, f2_ref)
    m_blk = jnp.max(logit, axis=1, keepdims=True)
    m_prev = m_ref[...]
    m_new = jnp.maximum(m_prev, m_blk)
    corr = jnp.where(m_prev == m_new, jnp.zeros_like(m_prev), m_prev - m_new)
    p = jnp.exp(logit - m_new)
    s_blk = jnp.sum(p, axis=1, keepdims=True)
    s_prev = s_ref[...]
    ec = jnp.exp(corr)
    s_new = ec * s_prev + s_blk
    resc = (jnp.exp(corr) * s_prev) * o_ref[...]
    acc = jax.lax.dot_general(p, whj_ref[...], (((1,), (0,)), ((), ())),
                              preferred_element_type=f32) + resc
    o_new = acc * (1.0 / s_new)
    m_ref[...] = m_new
    s_ref[...] = s_new
    o_ref[...] = o_new


def _gat_online(x, adj, W, A):
    n = adj.shape[0]
    wh, f = _prep(x, W, A)
    f1 = f[:, 0:1]
    f2row = _col_to_row(f[:, 1:2])
    b = min(n, 1024)
    nb = n // b
    h = pl.pallas_call(
        _gat_online_body,
        grid=(nb, nb),
        in_specs=[
            pl.BlockSpec((b, b), lambda i, j: (i, j)),
            pl.BlockSpec((b, 1), lambda i, j: (i, 0)),
            pl.BlockSpec((1, b), lambda i, j: (0, j)),
            pl.BlockSpec((b, H), lambda i, j: (j, 0)),
        ],
        out_specs=pl.BlockSpec((b, H), lambda i, j: (i, 0)),
        out_shape=jax.ShapeDtypeStruct((n, H), f32),
        scratch_shapes=[pltpu.VMEM((b, 1), f32), pltpu.VMEM((b, 1), f32)],
        compiler_params=pltpu.CompilerParams(
            dimension_semantics=("parallel", "arbitrary")),
    )(adj, f1, f2row, wh)
    return jax.nn.elu(h)


def _gat_att_body(adj_ref, f1_ref, f2_ref, wh_ref, h_ref, att_ref):
    logit = _logits(adj_ref, f1_ref, f2_ref)
    m = jnp.max(logit, axis=1, keepdims=True)
    p = jnp.exp(logit - m)
    att = p / jnp.sum(p, axis=1, keepdims=True)
    h_ref[...] = jnp.dot(att, wh_ref[...], precision=HIGHEST,
                         preferred_element_type=f32)
    att_ref[...] = att


def _gat_att(x, adj, W, A):
    n = adj.shape[0]
    wh, f = _prep(x, W, A)
    f1 = f[:, 0:1]
    f2row = _col_to_row(f[:, 1:2])
    b = 256
    h, att = pl.pallas_call(
        _gat_att_body,
        grid=(n // b,),
        in_specs=[
            pl.BlockSpec((b, n), lambda i: (i, 0)),
            pl.BlockSpec((b, 1), lambda i: (i, 0)),
            pl.BlockSpec((1, n), lambda i: (0, 0)),
            pl.BlockSpec((n, H), lambda i: (0, 0)),
        ],
        out_specs=(pl.BlockSpec((b, H), lambda i: (i, 0)),
                   pl.BlockSpec((b, n), lambda i: (i, 0))),
        out_shape=(jax.ShapeDtypeStruct((n, H), f32),
                   jax.ShapeDtypeStruct((n, n), f32)),
    )(adj, f1, f2row, wh)
    return jax.nn.elu(h), att



def _scores_body(x_ref, p_ref, nrm_ref, s_ref):
    z = jnp.dot(x_ref[...], p_ref[...], preferred_element_type=f32) / nrm_ref[...]
    s_ref[...] = 1.0 / (1.0 + jnp.exp(-z))


def _scores(x, pcol, nrm):
    n = x.shape[0]
    return pl.pallas_call(
        _scores_body,
        out_shape=jax.ShapeDtypeStruct((n, 1), f32),
    )(x, pcol, nrm)


def _rank_body(scol_ref, srow_ref, r_ref, rp1_ref):
    c = pl.program_id(0)
    m = scol_ref.shape[0]
    b = srow_ref.shape[1]
    scol = scol_ref[...]
    srow = srow_ref[...]
    jid = jax.lax.broadcasted_iota(jnp.int32, (m, b), 0)
    iid = c * b + jax.lax.broadcasted_iota(jnp.int32, (m, b), 1)
    gt = (scol > srow).astype(jnp.int32)
    eq = ((scol == srow) & (jid < iid)).astype(jnp.int32)
    r = jnp.sum(gt + eq, axis=0, keepdims=True)
    r_ref[...] = r
    rp1_ref[...] = (r + 1).astype(f32)


def _rank(scol, srow):
    m = scol.shape[0]
    b = min(m, 256)
    return pl.pallas_call(
        _rank_body,
        grid=(m // b,),
        in_specs=[pl.BlockSpec((m, 1), lambda c: (0, 0)),
                  pl.BlockSpec((1, b), lambda c: (0, c))],
        out_specs=(pl.BlockSpec((1, b), lambda c: (0, c)),
                   pl.BlockSpec((1, b), lambda c: (0, c))),
        out_shape=(jax.ShapeDtypeStruct((1, m), jnp.int32),
                   jax.ShapeDtypeStruct((1, m), f32)),
    )(scol, srow)


def _select_body(rrow_ref, srow_ref, x_ref, nx_ref, idx_ref):
    i = pl.program_id(0)
    b = nx_ref.shape[0]
    m = x_ref.shape[0]
    tgt = i * b + jax.lax.broadcasted_iota(jnp.int32, (b, m), 0)
    hit = rrow_ref[...] == tgt
    vals = jnp.sum(jnp.where(hit, srow_ref[...], 0.0), axis=1, keepdims=True)
    xg = jnp.dot(hit.astype(f32), x_ref[...], precision=HIGHEST,
                 preferred_element_type=f32)
    nx_ref[...] = xg * vals
    jid = jax.lax.broadcasted_iota(jnp.int32, (b, m), 1)
    idx_ref[...] = jnp.sum(jnp.where(hit, jid, 0), axis=1, keepdims=True)


def _select(rrow, srow, x, k):
    m = x.shape[0]
    b = min(k, 256)
    return pl.pallas_call(
        _select_body,
        grid=(k // b,),
        in_specs=[pl.BlockSpec((1, m), lambda i: (0, 0)),
                  pl.BlockSpec((1, m), lambda i: (0, 0)),
                  pl.BlockSpec((m, H), lambda i: (0, 0))],
        out_specs=(pl.BlockSpec((b, H), lambda i: (i, 0)),
                   pl.BlockSpec((b, 1), lambda i: (i, 0))),
        out_shape=(jax.ShapeDtypeStruct((k, H), f32),
                   jax.ShapeDtypeStruct((k, 1), jnp.int32)),
    )(rrow, srow, x)



def _scat_body(rcol_ref, src_ref, add_ref, out_ref, outadd_ref):
    k = src_ref.shape[0]
    b = rcol_ref.shape[0]
    r = rcol_ref[...]
    pid = jax.lax.broadcasted_iota(jnp.int32, (b, k), 1)
    oh = (r == pid).astype(f32)
    g = jnp.dot(oh, src_ref[...], precision=HIGHEST, preferred_element_type=f32)
    out_ref[...] = g
    outadd_ref[...] = g + add_ref[...]


def _scatter_rank(rcol, src, add):
    m = rcol.shape[0]
    k, c = src.shape
    b = min(m, 256)
    return pl.pallas_call(
        _scat_body,
        grid=(m // b,),
        in_specs=[pl.BlockSpec((b, 1), lambda i: (i, 0)),
                  pl.BlockSpec((k, c), lambda i: (0, 0)),
                  pl.BlockSpec((b, c), lambda i: (i, 0))],
        out_specs=(pl.BlockSpec((b, c), lambda i: (i, 0)),
                   pl.BlockSpec((b, c), lambda i: (i, 0))),
        out_shape=(jax.ShapeDtypeStruct((m, c), f32),
                   jax.ShapeDtypeStruct((m, c), f32)),
    )(rcol, src, add)




def _sc_gather_rows(adj, idx):
    m = adj.shape[0]
    k = idx.shape[0]
    info = plsc.get_sparse_core_info()
    nw = info.num_cores * info.num_subcores
    bpw = k // nw
    ch = 8
    nc = bpw // ch
    mesh = plsc.VectorSubcoreMesh(core_axis_name="c", subcore_axis_name="s")

    @functools.partial(
        pl.kernel, mesh=mesh,
        out_type=jax.ShapeDtypeStruct((k, m), f32),
        scratch_types=[
            pltpu.VMEM((bpw,), jnp.int32),
            pltpu.VMEM((ch, m), f32),
            pltpu.SemaphoreType.DMA,
        ],
    )
    def gather(adj_hbm, idx_hbm, out_hbm, idx_v, rows_v, sem):
        wid = lax.axis_index("s") * info.num_cores + lax.axis_index("c")
        base = wid * bpw
        pltpu.sync_copy(idx_hbm.at[pl.ds(base, bpw)], idx_v)

        def body(c, carry):
            pltpu.async_copy(adj_hbm.at[idx_v.at[pl.ds(c * ch, ch)]],
                             rows_v, sem).wait()
            pltpu.sync_copy(rows_v, out_hbm.at[pl.ds(base + c * ch, ch)])
            return carry

        lax.fori_loop(0, nc, body, 0)

    return gather(adj, idx)



def _poolcol_body(rcol_ref, g_ref, out_ref):
    b, cc = out_ref.shape
    m = g_ref.shape[1]
    c = pl.program_id(1)
    tgt = c * cc + jax.lax.broadcasted_iota(jnp.int32, (m, cc), 1)
    oh = (rcol_ref[...] == tgt).astype(jnp.bfloat16)
    out_ref[...] = jnp.dot(g_ref[...].astype(jnp.bfloat16), oh,
                           preferred_element_type=f32).astype(out_ref.dtype)


def _pool_cols(g, rcol, k, dtype):
    m, mm = g.shape
    cc2 = min(k, 512)
    b2 = min(k, 256)
    return pl.pallas_call(
        _poolcol_body,
        grid=(k // b2, k // cc2),
        in_specs=[pl.BlockSpec((mm, 1), lambda r, c: (0, 0)),
                  pl.BlockSpec((b2, mm), lambda r, c: (r, 0))],
        out_specs=pl.BlockSpec((b2, cc2), lambda r, c: (r, c)),
        out_shape=jax.ShapeDtypeStruct((k, k), dtype),
    )(rcol, g)




def _pack_body(a_ref, o_ref):
    o_ref[...] = a_ref[...].astype(jnp.bfloat16)


def _pack(adj):
    b = 512
    n = adj.shape[0]
    return pl.pallas_call(
        _pack_body,
        grid=(n // b,),
        in_specs=[pl.BlockSpec((b, n), lambda i: (i, 0))],
        out_specs=pl.BlockSpec((b, n), lambda i: (i, 0)),
        out_shape=jax.ShapeDtypeStruct((n, n), jnp.bfloat16),
    )(adj)



def _gd_body(r0_ref, s0_ref, x2_ref, q_ref, x4f_ref, s1f_ref, gd0_ref, gd1_ref):
    m0 = (r0_ref[...] < K0).astype(f32)
    q = q_ref[...]
    m1 = ((q > 0) & (q <= K1)).astype(f32)
    gd0_ref[...] = x2_ref[...] * (m0 * s0_ref[...])
    gd1_ref[...] = x4f_ref[...] * (m1 * s1f_ref[...])


def _gd(r0col, s0col, x2, qcol, x4full, s1full):
    b = 512
    col = pl.BlockSpec((b, 1), lambda i: (i, 0))
    mat = pl.BlockSpec((b, H), lambda i: (i, 0))
    return pl.pallas_call(
        _gd_body,
        grid=(N // b,),
        in_specs=[col, col, mat, col, mat, col],
        out_specs=(mat, mat),
        out_shape=(jax.ShapeDtypeStruct((N, H), f32),
                   jax.ShapeDtypeStruct((N, H), f32)),
    )(r0col, s0col, x2, qcol, x4full, s1full)


def _recon_body(adj_ref, r0c_ref, r0r_ref, qc_ref, qr_ref, rec0_ref, rec1_ref):
    a = adj_ref[...].astype(f32)
    m0c = (r0c_ref[...] < K0).astype(f32)
    m0r = (r0r_ref[...] < K0).astype(f32)
    qc = qc_ref[...]
    qr = qr_ref[...]
    m1c = ((qc > 0) & (qc <= K1)).astype(f32)
    m1r = ((qr > 0) & (qr <= K1)).astype(f32)
    rec0_ref[...] = a * m0c * m0r
    rec1_ref[...] = a * m1c * m1r


def _recon(adj, r0col, r0row, qcol, qrow):
    b = 256
    return pl.pallas_call(
        _recon_body,
        grid=(N // b,),
        in_specs=[pl.BlockSpec((b, N), lambda i: (i, 0)),
                  pl.BlockSpec((b, 1), lambda i: (i, 0)),
                  pl.BlockSpec((1, N), lambda i: (0, 0)),
                  pl.BlockSpec((b, 1), lambda i: (i, 0)),
                  pl.BlockSpec((1, N), lambda i: (0, 0))],
        out_specs=(pl.BlockSpec((b, N), lambda i: (i, 0)),
                   pl.BlockSpec((b, N), lambda i: (i, 0))),
        out_shape=(jax.ShapeDtypeStruct((N, N), f32),
                   jax.ShapeDtypeStruct((N, N), f32)),
    )(adj, r0col, r0row, qcol, qrow)


def _out_body(x_ref, w_ref, b_ref, o_ref):
    z = jnp.dot(x_ref[...], w_ref[...], preferred_element_type=f32) + b_ref[...]
    o_ref[...] = 1.0 / (1.0 + jnp.exp(-z))


def _out_layer(x, W_out, brow):
    nclass = W_out.shape[1]
    return pl.pallas_call(
        _out_body,
        out_shape=jax.ShapeDtypeStruct((N, nclass), f32),
    )(x, W_out, brow)



def kernel(x, adj, W_start, a_start, W_bottom, a_bottom,
           W_down0, a_down0, W_down1, a_down1,
           W_up0, a_up0, W_up1, a_up1,
           p_pool0, p_pool1, W_out, b_out):
    stack = lambda a: jnp.stack([a[:H], a[H:]], axis=1)
    A_start, A_bottom = stack(a_start), stack(a_bottom)
    A_down0, A_down1 = stack(a_down0), stack(a_down1)
    A_up0, A_up1 = stack(a_up0), stack(a_up1)
    p0col = p_pool0[:, None]
    p1col = p_pool1[:, None]
    nrm0 = (jnp.linalg.norm(p_pool0) + 1e-12).reshape(1, 1)
    nrm1 = (jnp.linalg.norm(p_pool1) + 1e-12).reshape(1, 1)
    brow = b_out[None, :]

    adjb = _pack(adj)
    x1 = _gat_online(x, adjb, W_start, A_start)
    x2 = _gat_online(x1, adjb, W_down0, A_down0)

    s0col = _scores(x2, p0col, nrm0)
    s0row = _col_to_row(s0col)
    r0row, _ = _rank(s0col, s0row)
    r0col = _row_to_col(r0row)
    x3, idx0 = _select(r0row, s0row, x2, K0)
    g0 = _sc_gather_rows(adj, idx0[:, 0])
    adj1 = _pool_cols(g0, r0col, K0, f32)

    x4 = _gat_online(x3, adj1, W_down1, A_down1)

    s1col = _scores(x4, p1col, nrm1)
    s1row = _col_to_row(s1col)
    r1row, rp1row = _rank(s1col, s1row)
    r1col = _row_to_col(r1row)
    rp1col = _row_to_col(rp1row)
    x5, idx1 = _select(r1row, s1row, x4, K1)
    g1 = _sc_gather_rows(adj1, idx1[:, 0])
    adj2 = _pool_cols(g1, r1col, K1, jnp.bfloat16)

    src1 = jnp.concatenate([x4, s1col, rp1col], axis=1)
    zeros_add = jnp.zeros((N, H + 2), f32)
    scat1, _ = _scatter_rank(r0col, src1, zeros_add)
    x4full = scat1[:, :H]
    s1full = scat1[:, H:H + 1]
    qcol = scat1[:, H + 1:H + 2]
    qrow = _col_to_row(qcol)

    x6 = _gat_online(x5, adj2, W_bottom, A_bottom)

    _, xu = _scatter_rank(r1col, x6, x4)
    x7 = _gat_online(xu, adj1, W_up0, A_up0)

    gup0, xu2 = _scatter_rank(r0col, x7, x2)
    x8, att = _gat_att(xu2, adjb, W_up1, A_up1)

    out = _out_layer(x8, W_out, brow)
    gd0, gd1 = _gd(r0col, s0col, x2, qcol, x4full, s1full)
    rec0, rec1 = _recon(adjb, r0col, r0row, qcol, qrow)

    return (out, gd0, gd1, gup0, x8, att, s0col, s1full, rec0, rec1)

# --- scband reference (transcript-rebuilt; emitter-appended) ---
"""Pipeline reference for scband-graph-unet-47132971106799 (READ-ONLY COPY).

The authoritative reference and input builder live on the scoring server;
editing this copy changes nothing except your own understanding.
"""

import jax, jax.numpy as jnp
import numpy as np

N = 4096
NFEAT = 128
NHID = 64
NCLASS = 16
NLAYER = 2
ALPHA = 0.2


def setup_inputs(seed: int = 0) -> dict:
    key = jax.random.key(seed)
    ks = jax.random.split(key, 12)
    x = jax.random.normal(ks[0], (N, NFEAT), dtype=jnp.float32)
    u = jax.random.uniform(ks[1], (N, N))
    adj = (u < 0.01).astype(jnp.float32)
    adj = jnp.maximum(adj, jnp.eye(N, dtype=jnp.float32))

    def gat_params(k, din, dout):
        k1, k2 = jax.random.split(k)
        W = jax.random.normal(k1, (din, dout), dtype=jnp.float32) * 0.1
        a = jax.random.normal(k2, (2 * dout,), dtype=jnp.float32) * 0.1
        return W, a

    W_start, a_start = gat_params(ks[2], NFEAT, NHID)
    W_bottom, a_bottom = gat_params(ks[3], NHID, NHID)
    W_down0, a_down0 = gat_params(ks[4], NHID, NHID)
    W_down1, a_down1 = gat_params(ks[5], NHID, NHID)
    W_up0, a_up0 = gat_params(ks[6], NHID, NHID)
    W_up1, a_up1 = gat_params(ks[7], NHID, NHID)
    p_pool0 = jax.random.normal(ks[8], (NHID,), dtype=jnp.float32) * 0.1
    p_pool1 = jax.random.normal(ks[9], (NHID,), dtype=jnp.float32) * 0.1
    W_out = jax.random.normal(ks[10], (NHID, NCLASS), dtype=jnp.float32) * 0.1
    b_out = jnp.zeros((NCLASS,), dtype=jnp.float32)
    return {"x": x, "adj": adj, "W_start": W_start, "a_start": a_start,
            "W_bottom": W_bottom, "a_bottom": a_bottom,
            "W_down0": W_down0, "a_down0": a_down0, "W_down1": W_down1, "a_down1": a_down1,
            "W_up0": W_up0, "a_up0": a_up0, "W_up1": W_up1, "a_up1": a_up1,
            "p_pool0": p_pool0, "p_pool1": p_pool1, "W_out": W_out, "b_out": b_out}


def _gat(x, adj, W, a):
    Wh = x @ W
    d = Wh.shape[1]
    f1 = Wh @ a[:d]
    f2 = Wh @ a[d:]
    e = jax.nn.leaky_relu(f1[:, None] + f2[None, :], negative_slope=ALPHA)
    att = jnp.where(adj > 0, e, -9e15)
    att = jax.nn.softmax(att, axis=1)
    h = att @ Wh
    return jax.nn.elu(h), att


def _pool(adj, x, p):
    scores = jax.nn.sigmoid((x @ p) / (jnp.linalg.norm(p) + 1e-12))
    k = x.shape[0] // 2
    vals, idx = jax.lax.top_k(scores, k)
    new_x = x[idx] * vals[:, None]
    new_adj = adj[idx][:, idx]
    return new_adj, new_x, idx, scores


def _unpool(adj, x, down_out, idx):
    new_x = jnp.zeros_like(down_out).at[idx].set(x) + down_out
    return adj, new_x


def _copy_adj(recon, adj, idx):
    return recon.at[idx[:, None], idx[None, :]].set(adj)


def _recursive_index(indices_list):
    if len(indices_list) == 1:
        return indices_list[-1]
    return indices_list[0][_recursive_index(indices_list[1:])]


def reference(x, adj, W_start, a_start, W_bottom, a_bottom,
              W_down0, a_down0, W_down1, a_down1,
              W_up0, a_up0, W_up1, a_up1,
              p_pool0, p_pool1, W_out, b_out):
    down_W = [(W_down0, a_down0), (W_down1, a_down1)]
    up_W = [(W_up0, a_up0), (W_up1, a_up1)]
    pools = [p_pool0, p_pool1]
    gft_down_list = []
    gft_up_list = []
    score_list = []
    recon_adj_list = []
    adj_ms = []
    indices_list = []
    down_outs = []
    x, att = _gat(x, adj, W_start, a_start)
    origin_size = (adj.shape[0], x.shape[1])
    for i in range(NLAYER):
        x, _ = _gat(x, adj, down_W[i][0], down_W[i][1])
        adj_ms.append(adj)
        down_outs.append(x)
        adj, x, idx, scores = _pool(adj, x, pools[i])
        indices_list.append(idx)
        org_idx = _recursive_index(indices_list)
        full_x = jnp.zeros(origin_size, dtype=x.dtype).at[org_idx].set(x)
        gft_down_list.append(full_x)
        recon = jnp.zeros_like(adj_ms[0])
        recon_adj_list.append(_copy_adj(recon, adj, org_idx))
        if i >= 1:
            org_idx2 = _recursive_index(indices_list[:-1])
            score_x = jnp.zeros((origin_size[0],), dtype=scores.dtype).at[org_idx2].set(scores)
            score_list.append(score_x[:, None])
        else:
            score_list.append(scores[:, None])
    x, _ = _gat(x, adj, W_bottom, a_bottom)
    for i in range(NLAYER):
        up_idx = NLAYER - i - 1
        adj, idx = adj_ms[up_idx], indices_list[up_idx]
        adj, x = _unpool(adj, x, down_outs[up_idx], idx)
        x, att = _gat(x, adj, up_W[i][0], up_W[i][1])
        if i < NLAYER - 1:
            pre_idx = _recursive_index(indices_list[:up_idx])
            new_x = jnp.zeros(origin_size, dtype=x.dtype).at[pre_idx].set(x)
            gft_up_list.append(new_x)
        else:
            gft_up_list.append(x)
    x = jax.nn.sigmoid(x @ W_out + b_out)
    return (x, *gft_down_list, *gft_up_list, att, *score_list, *recon_adj_list)

if __name__ == "__main__":
    import jax
    _d = setup_inputs()
    print(jax.jit(kernel)(*tuple(_d.values())))

</pallas_src>

<mosaic_0001>
#map = affine_map<(d0, d1) -> (0, 0)>
#map1 = affine_map<(d0, d1) -> (0)>
module attributes {stable_mosaic.version = 14 : i64} {
  func.func @gather(%arg0: i32, %arg1: i32, %arg2: memref<2048x2048xf32, #tpu.memory_space<hbm>>, %arg3: memref<1024xi32, #tpu.memory_space<hbm>>, %arg4: memref<1024x2048xf32, #tpu.memory_space<hbm>>, %arg5: memref<32xi32, #tpu.memory_space<vmem>>, %arg6: memref<8x2048xf32, #tpu.memory_space<vmem>>, %arg7: memref<!tpu.dma_semaphore, #tpu.memory_space<semaphore_mem>>) attributes {dimension_semantics = [#tpu.dimension_semantics<core_parallel>, #tpu.dimension_semantics<subcore_parallel>], iteration_bounds = array<i64: 2, 16>, scalar_prefetch = 0 : i64, scratch_operands = 3 : i64, tpu.core_type = #tpu.core_type<sc_vector_subcore>, window_params = [{transform_indices = #map}, {transform_indices = #map1}, {transform_indices = #map}]} {
    %mul3A = arith.constant 2 : i32
    %mul3A_0 = arith.muli %arg1, %mul3A : i32
    %add3A = arith.addi %mul3A_0, %arg0 : i32
    %mul3A_1 = arith.constant 32 : i32
    %mul3A_2 = arith.muli %add3A, %mul3A_1 : i32
    "tpu.region"() ({
      %run_scoped3A = tpu.sem_alloc : memref<!tpu.dma_semaphore, #tpu.memory_space<semaphore_mem>>
      %dma_start3A = tpu.memref_slice %arg3[%mul3A_2] : memref<1024xi32, #tpu.memory_space<hbm>> -> memref<32xi32, #tpu.memory_space<hbm>>
      %dma_start3A_8 = tpu.memref_slice %arg3[%mul3A_2] : memref<1024xi32, #tpu.memory_space<hbm>> -> memref<32xi32, #tpu.memory_space<hbm>>
      tpu.enqueue_dma source(%dma_start3A_8 : memref<32xi32, #tpu.memory_space<hbm>>) target(%arg5 : memref<32xi32, #tpu.memory_space<vmem>>) target_semaphore(%run_scoped3A : memref<!tpu.dma_semaphore, #tpu.memory_space<semaphore_mem>>)
      %dma_wait3A = tpu.memref_slice %arg3[%mul3A_2] : memref<1024xi32, #tpu.memory_space<hbm>> -> memref<32xi32, #tpu.memory_space<hbm>>
      %dma_wait3A_9 = tpu.memref_slice %arg3[%mul3A_2] : memref<1024xi32, #tpu.memory_space<hbm>> -> memref<32xi32, #tpu.memory_space<hbm>>
      tpu.wait_dma2 semaphore(%run_scoped3A : memref<!tpu.dma_semaphore, #tpu.memory_space<semaphore_mem>>) src(%dma_wait3A_9 : memref<32xi32, #tpu.memory_space<hbm>>) dst(%arg5 : memref<32xi32, #tpu.memory_space<vmem>>)
      tpu.yield
    }) : () -> ()
    %scan3A = arith.constant 0 : i32
    %scan3A_3 = arith.constant 0 : i32
    %scan3A_4 = arith.constant 4 : i32
    %scan3A_5 = arith.addi %scan3A_3, %scan3A_4 : i32
    %scan3A_6 = arith.constant 1 : i32
    scf.for %scan3A_8 = %scan3A_3 to %scan3A_5 step %scan3A_6  : i32 {
      %mul3A_9 = arith.constant 8 : i32
      %mul3A_10 = arith.muli %scan3A_8, %mul3A_9 : i32
      %dma_start3A = tpu.memref_slice %arg5[%mul3A_10] : memref<32xi32, #tpu.memory_space<vmem>> -> memref<8xi32, #tpu.memory_space<vmem>>
      %dma_start3A_11 = arith.constant 0 : i32
      %dma_start3A_12 = arith.constant 0 : i32
      %dma_start3A_13 = tpu.memref_slice %arg2[%dma_start3A_11, %dma_start3A_12] : memref<2048x2048xf32, #tpu.memory_space<hbm>> -> memref<2048x2048xf32, #tpu.memory_space<hbm>>
      tpu.enqueue_indirect_dma source(%dma_start3A_13 : memref<2048x2048xf32, #tpu.memory_space<hbm>>) target(%arg6 : memref<8x2048xf32, #tpu.memory_space<vmem>>) offsets(%dma_start3A : memref<8xi32, #tpu.memory_space<vmem>>) semaphore(%arg7 : memref<!tpu.dma_semaphore, #tpu.memory_space<semaphore_mem>>)
      %dma_wait3A = tpu.memref_slice %arg5[%mul3A_10] : memref<32xi32, #tpu.memory_space<vmem>> -> memref<8xi32, #tpu.memory_space<vmem>>
      %dma_wait3A_14 = arith.constant 0 : i32
      %dma_wait3A_15 = arith.constant 0 : i32
      %dma_wait3A_16 = tpu.memref_slice %arg2[%dma_wait3A_14, %dma_wait3A_15] : memref<2048x2048xf32, #tpu.memory_space<hbm>> -> memref<2048x2048xf32, #tpu.memory_space<hbm>>
      tpu.wait_indirect_dma semaphore(%arg7 : memref<!tpu.dma_semaphore, #tpu.memory_space<semaphore_mem>>) src(%dma_wait3A_16 : memref<2048x2048xf32, #tpu.memory_space<hbm>>) dst(%arg6 : memref<8x2048xf32, #tpu.memory_space<vmem>>)
      %mul3A_17 = arith.constant 8 : i32
      %mul3A_18 = arith.muli %scan3A_8, %mul3A_17 : i32
      %add3A_19 = arith.addi %mul3A_2, %mul3A_18 : i32
      "tpu.region"() ({
        %run_scoped3A = tpu.sem_alloc : memref<!tpu.dma_semaphore, #tpu.memory_space<semaphore_mem>>
        %dma_start3A_20 = arith.constant 0 : i32
        %dma_start3A_21 = tpu.memref_slice %arg4[%add3A_19, %dma_start3A_20] : memref<1024x2048xf32, #tpu.memory_space<hbm>> -> memref<8x2048xf32, #tpu.memory_space<hbm>>
        %dma_start3A_22 = arith.constant 0 : i32
        %dma_start3A_23 = tpu.memref_slice %arg4[%add3A_19, %dma_start3A_22] : memref<1024x2048xf32, #tpu.memory_space<hbm>> -> memref<8x2048xf32, #tpu.memory_space<hbm>>
        tpu.enqueue_dma source(%arg6 : memref<8x2048xf32, #tpu.memory_space<vmem>>) target(%dma_start3A_23 : memref<8x2048xf32, #tpu.memory_space<hbm>>) target_semaphore(%run_scoped3A : memref<!tpu.dma_semaphore, #tpu.memory_space<semaphore_mem>>)
        %dma_wait3A_24 = arith.constant 0 : i32
        %dma_wait3A_25 = tpu.memref_slice %arg4[%add3A_19, %dma_wait3A_24] : memref<1024x2048xf32, #tpu.memory_space<hbm>> -> memref<8x2048xf32, #tpu.memory_space<hbm>>
        %dma_wait3A_26 = arith.constant 0 : i32
        %dma_wait3A_27 = tpu.memref_slice %arg4[%add3A_19, %dma_wait3A_26] : memref<1024x2048xf32, #tpu.memory_space<hbm>> -> memref<8x2048xf32, #tpu.memory_space<hbm>>
        tpu.wait_dma2 semaphore(%run_scoped3A : memref<!tpu.dma_semaphore, #tpu.memory_space<semaphore_mem>>) src(%arg6 : memref<8x2048xf32, #tpu.memory_space<vmem>>) dst(%dma_wait3A_27 : memref<8x2048xf32, #tpu.memory_space<hbm>>)
        tpu.yield
      }) : () -> ()
    }
    %scan3A_7 = arith.constant 4 : i32
    return
  }
}

#map = affine_map<(d0, d1) -> (0, 0)>
#map1 = affine_map<(d0, d1) -> (0)>
module attributes {stable_mosaic.version = 14 : i64} {
  func.func @gather(%arg0: i32, %arg1: i32, %arg2: memref<4096x4096xf32, #tpu.memory_space<hbm>>, %arg3: memref<2048xi32, #tpu.memory_space<hbm>>, %arg4: memref<2048x4096xf32, #tpu.memory_space<hbm>>, %arg5: memref<64xi32, #tpu.memory_space<vmem>>, %arg6: memref<8x4096xf32, #tpu.memory_space<vmem>>, %arg7: memref<!tpu.dma_semaphore, #tpu.memory_space<semaphore_mem>>) attributes {dimension_semantics = [#tpu.dimension_semantics<core_parallel>, #tpu.dimension_semantics<subcore_parallel>], iteration_bounds = array<i64: 2, 16>, scalar_prefetch = 0 : i64, scratch_operands = 3 : i64, tpu.core_type = #tpu.core_type<sc_vector_subcore>, window_params = [{transform_indices = #map}, {transform_indices = #map1}, {transform_indices = #map}]} {
    %mul3A = arith.constant 2 : i32
    %mul3A_0 = arith.muli %arg1, %mul3A : i32
    %add3A = arith.addi %mul3A_0, %arg0 : i32
    %mul3A_1 = arith.constant 64 : i32
    %mul3A_2 = arith.muli %add3A, %mul3A_1 : i32
    "tpu.region"() ({
      %run_scoped3A = tpu.sem_alloc : memref<!tpu.dma_semaphore, #tpu.memory_space<semaphore_mem>>
      %dma_start3A = tpu.memref_slice %arg3[%mul3A_2] : memref<2048xi32, #tpu.memory_space<hbm>> -> memref<64xi32, #tpu.memory_space<hbm>>
      %dma_start3A_8 = tpu.memref_slice %arg3[%mul3A_2] : memref<2048xi32, #tpu.memory_space<hbm>> -> memref<64xi32, #tpu.memory_space<hbm>>
      tpu.enqueue_dma source(%dma_start3A_8 : memref<64xi32, #tpu.memory_space<hbm>>) target(%arg5 : memref<64xi32, #tpu.memory_space<vmem>>) target_semaphore(%run_scoped3A : memref<!tpu.dma_semaphore, #tpu.memory_space<semaphore_mem>>)
      %dma_wait3A = tpu.memref_slice %arg3[%mul3A_2] : memref<2048xi32, #tpu.memory_space<hbm>> -> memref<64xi32, #tpu.memory_space<hbm>>
      %dma_wait3A_9 = tpu.memref_slice %arg3[%mul3A_2] : memref<2048xi32, #tpu.memory_space<hbm>> -> memref<64xi32, #tpu.memory_space<hbm>>
      tpu.wait_dma2 semaphore(%run_scoped3A : memref<!tpu.dma_semaphore, #tpu.memory_space<semaphore_mem>>) src(%dma_wait3A_9 : memref<64xi32, #tpu.memory_space<hbm>>) dst(%arg5 : memref<64xi32, #tpu.memory_space<vmem>>)
      tpu.yield
    }) : () -> ()
    %scan3A = arith.constant 0 : i32
    %scan3A_3 = arith.constant 0 : i32
    %scan3A_4 = arith.constant 8 : i32
    %scan3A_5 = arith.addi %scan3A_3, %scan3A_4 : i32
    %scan3A_6 = arith.constant 1 : i32
    scf.for %scan3A_8 = %scan3A_3 to %scan3A_5 step %scan3A_6  : i32 {
      %mul3A_9 = arith.constant 8 : i32
      %mul3A_10 = arith.muli %scan3A_8, %mul3A_9 : i32
      %dma_start3A = tpu.memref_slice %arg5[%mul3A_10] : memref<64xi32, #tpu.memory_space<vmem>> -> memref<8xi32, #tpu.memory_space<vmem>>
      %dma_start3A_11 = arith.constant 0 : i32
      %dma_start3A_12 = arith.constant 0 : i32
      %dma_start3A_13 = tpu.memref_slice %arg2[%dma_start3A_11, %dma_start3A_12] : memref<4096x4096xf32, #tpu.memory_space<hbm>> -> memref<4096x4096xf32, #tpu.memory_space<hbm>>
      tpu.enqueue_indirect_dma source(%dma_start3A_13 : memref<4096x4096xf32, #tpu.memory_space<hbm>>) target(%arg6 : memref<8x4096xf32, #tpu.memory_space<vmem>>) offsets(%dma_start3A : memref<8xi32, #tpu.memory_space<vmem>>) semaphore(%arg7 : memref<!tpu.dma_semaphore, #tpu.memory_space<semaphore_mem>>)
      %dma_wait3A = tpu.memref_slice %arg5[%mul3A_10] : memref<64xi32, #tpu.memory_space<vmem>> -> memref<8xi32, #tpu.memory_space<vmem>>
      %dma_wait3A_14 = arith.constant 0 : i32
      %dma_wait3A_15 = arith.constant 0 : i32
      %dma_wait3A_16 = tpu.memref_slice %arg2[%dma_wait3A_14, %dma_wait3A_15] : memref<4096x4096xf32, #tpu.memory_space<hbm>> -> memref<4096x4096xf32, #tpu.memory_space<hbm>>
      tpu.wait_indirect_dma semaphore(%arg7 : memref<!tpu.dma_semaphore, #tpu.memory_space<semaphore_mem>>) src(%dma_wait3A_16 : memref<4096x4096xf32, #tpu.memory_space<hbm>>) dst(%arg6 : memref<8x4096xf32, #tpu.memory_space<vmem>>)
      %mul3A_17 = arith.constant 8 : i32
      %mul3A_18 = arith.muli %scan3A_8, %mul3A_17 : i32
      %add3A_19 = arith.addi %mul3A_2, %mul3A_18 : i32
      "tpu.region"() ({
        %run_scoped3A = tpu.sem_alloc : memref<!tpu.dma_semaphore, #tpu.memory_space<semaphore_mem>>
        %dma_start3A_20 = arith.constant 0 : i32
        %dma_start3A_21 = tpu.memref_slice %arg4[%add3A_19, %dma_start3A_20] : memref<2048x4096xf32, #tpu.memory_space<hbm>> -> memref<8x4096xf32, #tpu.memory_space<hbm>>
        %dma_start3A_22 = arith.constant 0 : i32
        %dma_start3A_23 = tpu.memref_slice %arg4[%add3A_19, %dma_start3A_22] : memref<2048x4096xf32, #tpu.memory_space<hbm>> -> memref<8x4096xf32, #tpu.memory_space<hbm>>
        tpu.enqueue_dma source(%arg6 : memref<8x4096xf32, #tpu.memory_space<vmem>>) target(%dma_start3A_23 : memref<8x4096xf32, #tpu.memory_space<hbm>>) target_semaphore(%run_scoped3A : memref<!tpu.dma_semaphore, #tpu.memory_space<semaphore_mem>>)
        %dma_wait3A_24 = arith.constant 0 : i32
        %dma_wait3A_25 = tpu.memref_slice %arg4[%add3A_19, %dma_wait3A_24] : memref<2048x4096xf32, #tpu.memory_space<hbm>> -> memref<8x4096xf32, #tpu.memory_space<hbm>>
        %dma_wait3A_26 = arith.constant 0 : i32
        %dma_wait3A_27 = tpu.memref_slice %arg4[%add3A_19, %dma_wait3A_26] : memref<2048x4096xf32, #tpu.memory_space<hbm>> -> memref<8x4096xf32, #tpu.memory_space<hbm>>
        tpu.wait_dma2 semaphore(%run_scoped3A : memref<!tpu.dma_semaphore, #tpu.memory_space<semaphore_mem>>) src(%arg6 : memref<8x4096xf32, #tpu.memory_space<vmem>>) dst(%dma_wait3A_27 : memref<8x4096xf32, #tpu.memory_space<hbm>>)
        tpu.yield
      }) : () -> ()
    }
    %scan3A_7 = arith.constant 8 : i32
    return
  }
}

module attributes {stable_mosaic.version = 14 : i64} {
  func.func @_c2r_body(%arg0: i32, %arg1: memref<4096x1xf32, #tpu.memory_space<vmem>>, %arg2: memref<1x512xf32, #tpu.memory_space<vmem>>) attributes {dimension_semantics = [#tpu.dimension_semantics<arbitrary>], iteration_bounds = array<i64: 8>, scalar_prefetch = 0 : i64, scratch_operands = 0 : i64, tpu.core_type = #tpu.core_type<tc>, window_params = [{pipeline_mode = #tpu.pipeline_mode<synchronous>, transform_indices = @transform_0, window_bounds = array<i64: 4096, 1>}, {transform_indices = @transform_1, window_bounds = array<i64: 1, 512>}]} {
    %iota3A = tpu.iota {dimensions = array<i32: 0>} : vector<4096x512xi32>
    %mul3A = arith.constant 512 : i32
    %mul3A_0 = arith.muli %arg0, %mul3A : i32
    %iota3A_1 = tpu.iota {dimensions = array<i32: 1>} : vector<4096x512xi32>
    %add3A = vector.broadcast %mul3A_0 : i32 to vector<4096x512xi32>
    %add3A_2 = arith.addi %add3A, %iota3A_1 : vector<4096x512xi32>
    %get3A = arith.constant 0 : index
    %get3A_3 = arith.constant 0 : index
    %get3A_4 = vector.load %arg1[%get3A, %get3A_3] : memref<4096x1xf32, #tpu.memory_space<vmem>>, vector<4096x1xf32>
    %eq3A = arith.cmpi eq, %iota3A, %add3A_2 : vector<4096x512xi32>
    %broadcast_in_dim3A = arith.constant 0.000000e+00 : f32
    %broadcast_in_dim3A_5 = vector.broadcast %broadcast_in_dim3A : f32 to vector<4096x1xf32>
    %broadcast_in_dim3A_6 = vector.shape_cast %get3A_4 : vector<4096x1xf32> to vector<4096x1xf32>
    %broadcast_in_dim3A_7 = vector.broadcast %broadcast_in_dim3A_6 : vector<4096x1xf32> to vector<4096x512xf32>
    %broadcast_in_dim3A_8 = vector.shape_cast %broadcast_in_dim3A_5 : vector<4096x1xf32> to vector<4096x1xf32>
    %broadcast_in_dim3A_9 = vector.broadcast %broadcast_in_dim3A_8 : vector<4096x1xf32> to vector<4096x512xf32>
    %select_n3A = arith.select %eq3A, %broadcast_in_dim3A_7, %broadcast_in_dim3A_9 : vector<4096x512xi1>, vector<4096x512xf32>
    %reduce_sum3A = arith.constant dense<0.000000e+00> : vector<512xf32>
    %reduce_sum3A_10 = vector.multi_reduction <add>, %select_n3A, %reduce_sum3A [0] : vector<4096x512xf32> to vector<512xf32>
    %broadcast_in_dim3A_11 = vector.shape_cast %reduce_sum3A_10 : vector<512xf32> to vector<1x512xf32>
    %swap3A = arith.constant 0 : index
    %swap3A_12 = arith.constant 0 : index
    %swap3A_13 = vector.load %arg2[%swap3A, %swap3A_12] : memref<1x512xf32, #tpu.memory_space<vmem>>, vector<1x512xf32>
    tpu.vector_store %arg2[%swap3A, %swap3A_12], %broadcast_in_dim3A_11 {strides = array<i32>} : memref<1x512xf32, #tpu.memory_space<vmem>>, vector<1x512xf32>,
    return
  }
  func.func @transform_0(%arg0: i32) -> (i32, i32) {
    %c0_i32 = arith.constant 0 : i32
    %c0_i32_0 = arith.constant 0 : i32
    %c0_i32_1 = arith.constant 0 : i32
    return %c0_i32, %c0_i32_0 : i32, i32
  }
  func.func @transform_1(%arg0: i32) -> (i32, i32) {
    %c0_i32 = arith.constant 0 : i32
    %c0_i32_0 = arith.constant 0 : i32
    return %c0_i32, %arg0 : i32, i32
  }
}

module attributes {stable_mosaic.version = 14 : i64} {
  func.func @_pack_body(%arg0: i32, %arg1: memref<512x4096xf32, #tpu.memory_space<vmem>>, %arg2: memref<512x4096xbf16, #tpu.memory_space<vmem>>) attributes {dimension_semantics = [#tpu.dimension_semantics<arbitrary>], iteration_bounds = array<i64: 8>, scalar_prefetch = 0 : i64, scratch_operands = 0 : i64, tpu.core_type = #tpu.core_type<tc>, window_params = [{transform_indices = @transform_0, window_bounds = array<i64: 512, 4096>}, {transform_indices = @transform_1, window_bounds = array<i64: 512, 4096>}]} {
    %get3A = arith.constant 0 : index
    %get3A_0 = arith.constant 0 : index
    %get3A_1 = vector.load %arg1[%get3A, %get3A_0] : memref<512x4096xf32, #tpu.memory_space<vmem>>, vector<512x4096xf32>
    %convert_element_type3A = arith.truncf %get3A_1 : vector<512x4096xf32> to vector<512x4096xbf16>
    %swap3A = arith.constant 0 : index
    %swap3A_2 = arith.constant 0 : index
    %swap3A_3 = vector.load %arg2[%swap3A, %swap3A_2] : memref<512x4096xbf16, #tpu.memory_space<vmem>>, vector<512x4096xbf16>
    tpu.vector_store %arg2[%swap3A, %swap3A_2], %convert_element_type3A {strides = array<i32>} : memref<512x4096xbf16, #tpu.memory_space<vmem>>, vector<512x4096xbf16>,
    return
  }
  func.func @transform_0(%arg0: i32) -> (i32, i32) {
    %c0_i32 = arith.constant 0 : i32
    %c0_i32_0 = arith.constant 0 : i32
    return %arg0, %c0_i32 : i32, i32
  }
  func.func @transform_1(%arg0: i32) -> (i32, i32) {
    %c0_i32 = arith.constant 0 : i32
    %c0_i32_0 = arith.constant 0 : i32
    return %arg0, %c0_i32 : i32, i32
  }
}

module attributes {stable_mosaic.version = 14 : i64} {
  func.func @_prep_body(%arg0: memref<4096x128xf32, #tpu.memory_space<vmem>>, %arg1: memref<128x64xf32, #tpu.memory_space<vmem>>, %arg2: memref<64x2xf32, #tpu.memory_space<vmem>>, %arg3: memref<4096x64xf32, #tpu.memory_space<vmem>>, %arg4: memref<4096x2xf32, #tpu.memory_space<vmem>>) attributes {dimension_semantics = [], scalar_prefetch = 0 : i64, scratch_operands = 0 : i64, tpu.core_type = #tpu.core_type<tc>} {
    %get3A = arith.constant 0 : index
    %get3A_0 = arith.constant 0 : index
    %get3A_1 = vector.load %arg0[%get3A, %get3A_0] : memref<4096x128xf32, #tpu.memory_space<vmem>>, vector<4096x128xf32>
    %get3A_2 = arith.constant 0 : index
    %get3A_3 = arith.constant 0 : index
    %get3A_4 = vector.load %arg1[%get3A_2, %get3A_3] : memref<128x64xf32, #tpu.memory_space<vmem>>, vector<128x64xf32>
    %dot_general3A = arith.constant dense<0.000000e+00> : vector<4096x64xf32>
    %dot_general3A_5 = tpu.matmul %get3A_1, %get3A_4, %dot_general3A {dimension_numbers = #tpu.dot_dimension_numbers<[1], [0], [0], [1], [0, 0, 1, 1], [], []>, transpose_lhs_hint = false} : vector<4096x128xf32>, vector<128x64xf32>, vector<4096x64xf32> -> vector<4096x64xf32>
    %swap3A = arith.constant 0 : index
    %swap3A_6 = arith.constant 0 : index
    %swap3A_7 = vector.load %arg3[%swap3A, %swap3A_6] : memref<4096x64xf32, #tpu.memory_space<vmem>>, vector<4096x64xf32>
    tpu.vector_store %arg3[%swap3A, %swap3A_6], %dot_general3A_5 {strides = array<i32>} : memref<4096x64xf32, #tpu.memory_space<vmem>>, vector<4096x64xf32>,
    %get3A_8 = arith.constant 0 : index
    %get3A_9 = arith.constant 0 : index
    %get3A_10 = vector.load %arg2[%get3A_8, %get3A_9] : memref<64x2xf32, #tpu.memory_space<vmem>>, vector<64x2xf32>
    %dot_general3A_11 = arith.constant dense<0.000000e+00> : vector<4096x2xf32>
    %dot_general3A_12 = tpu.matmul %dot_general3A_5, %get3A_10, %dot_general3A_11 {dimension_numbers = #tpu.dot_dimension_numbers<[1], [0], [0], [1], [0, 0, 1, 1], [], []>, transpose_lhs_hint = false} : vector<4096x64xf32>, vector<64x2xf32>, vector<4096x2xf32> -> vector<4096x2xf32>
    %swap3A_13 = arith.constant 0 : index
    %swap3A_14 = arith.constant 0 : index
    %swap3A_15 = vector.load %arg4[%swap3A_13, %swap3A_14] : memref<4096x2xf32, #tpu.memory_space<vmem>>, vector<4096x2xf32>
    tpu.vector_store %arg4[%swap3A_13, %swap3A_14], %dot_general3A_12 {strides = array<i32>} : memref<4096x2xf32, #tpu.memory_space<vmem>>, vector<4096x2xf32>,
    return
  }
}

module attributes {stable_mosaic.version = 14 : i64} {
  func.func @_gat_online_body(%arg0: i32, %arg1: i32, %arg2: memref<1024x1024xbf16, #tpu.memory_space<vmem>>, %arg3: memref<1024x1xf32, #tpu.memory_space<vmem>>, %arg4: memref<1x1024xf32, #tpu.memory_space<vmem>>, %arg5: memref<1024x64xf32, #tpu.memory_space<vmem>>, %arg6: memref<1024x64xf32, #tpu.memory_space<vmem>>, %arg7: memref<1024x1xf32, #tpu.memory_space<vmem>>, %arg8: memref<1024x1xf32, #tpu.memory_space<vmem>>) attributes {dimension_semantics = [#tpu.dimension_semantics<parallel>, #tpu.dimension_semantics<arbitrary>], iteration_bounds = array<i64: 4, 4>, scalar_prefetch = 0 : i64, scratch_operands = 2 : i64, tpu.core_type = #tpu.core_type<tc>, window_params = [{transform_indices = @transform_0, window_bounds = array<i64: 1024, 1024>}, {transform_indices = @transform_1, window_bounds = array<i64: 1024, 1>}, {transform_indices = @transform_2, window_bounds = array<i64: 1, 1024>}, {transform_indices = @transform_3, window_bounds = array<i64: 1024, 64>}, {transform_indices = @transform_4, window_bounds = array<i64: 1024, 64>}]} {
    %eq3A = arith.constant 0 : i32
    %eq3A_0 = arith.cmpi eq, %arg1, %eq3A : i32
    %convert_element_type3A = arith.extui %eq3A_0 : i1 to i32
    %cond3A = arith.constant 0 : i32
    %cond3A_1 = arith.cmpi ne, %convert_element_type3A, %cond3A : i32
    scf.if %cond3A_1 {
      %broadcast_in_dim3A_62 = arith.constant 0xFF800000 : f32
      %broadcast_in_dim3A_63 = vector.broadcast %broadcast_in_dim3A_62 : f32 to vector<1024x1xf32>
      %swap3A_64 = arith.constant 0 : index
      %swap3A_65 = arith.constant 0 : index
      %swap3A_66 = vector.load %arg7[%swap3A_64, %swap3A_65] : memref<1024x1xf32, #tpu.memory_space<vmem>>, vector<1024x1xf32>
      tpu.vector_store %arg7[%swap3A_64, %swap3A_65], %broadcast_in_dim3A_63 {strides = array<i32>} : memref<1024x1xf32, #tpu.memory_space<vmem>>, vector<1024x1xf32>,
      %broadcast_in_dim3A_67 = arith.constant 0.000000e+00 : f32
      %broadcast_in_dim3A_68 = vector.broadcast %broadcast_in_dim3A_67 : f32 to vector<1024x1xf32>
      %swap3A_69 = arith.constant 0 : index
      %swap3A_70 = arith.constant 0 : index
      %swap3A_71 = vector.load %arg8[%swap3A_69, %swap3A_70] : memref<1024x1xf32, #tpu.memory_space<vmem>>, vector<1024x1xf32>
      tpu.vector_store %arg8[%swap3A_69, %swap3A_70], %broadcast_in_dim3A_68 {strides = array<i32>} : memref<1024x1xf32, #tpu.memory_space<vmem>>, vector<1024x1xf32>,
      %broadcast_in_dim3A_72 = arith.constant 0.000000e+00 : f32
      %broadcast_in_dim3A_73 = vector.broadcast %broadcast_in_dim3A_72 : f32 to vector<1024x64xf32>
      %swap3A_74 = arith.constant 0 : index
      %swap3A_75 = arith.constant 0 : index
      %swap3A_76 = vector.load %arg6[%swap3A_74, %swap3A_75] : memref<1024x64xf32, #tpu.memory_space<vmem>>, vector<1024x64xf32>
      tpu.vector_store %arg6[%swap3A_74, %swap3A_75], %broadcast_in_dim3A_73 {strides = array<i32>} : memref<1024x64xf32, #tpu.memory_space<vmem>>, vector<1024x64xf32>,
    } else {
    }
    %get3A = arith.constant 0 : index
    %get3A_2 = arith.constant 0 : index
    %get3A_3 = vector.load %arg3[%get3A, %get3A_2] : memref<1024x1xf32, #tpu.memory_space<vmem>>, vector<1024x1xf32>
    %get3A_4 = arith.constant 0 : index
    %get3A_5 = arith.constant 0 : index
    %get3A_6 = vector.load %arg4[%get3A_4, %get3A_5] : memref<1x1024xf32, #tpu.memory_space<vmem>>, vector<1x1024xf32>
    %add3A = vector.broadcast %get3A_3 : vector<1024x1xf32> to vector<1024x1024xf32>
    %add3A_7 = vector.broadcast %get3A_6 : vector<1x1024xf32> to vector<1024x1024xf32>
    %add3A_8 = arith.addf %add3A, %add3A_7 : vector<1024x1024xf32>
    %ge3A = arith.constant 0.000000e+00 : f32
    %ge3A_9 = vector.broadcast %ge3A : f32 to vector<1024x1024xf32>
    %ge3A_10 = arith.cmpf oge, %add3A_8, %ge3A_9 : vector<1024x1024xf32>
    %mul3A = arith.constant 2.000000e-01 : f32
    %mul3A_11 = vector.broadcast %mul3A : f32 to vector<1024x1024xf32>
    %mul3A_12 = arith.mulf %mul3A_11, %add3A_8 : vector<1024x1024xf32>
    %select_n3A = arith.select %ge3A_10, %add3A_8, %mul3A_12 : vector<1024x1024xi1>, vector<1024x1024xf32>
    %get3A_13 = arith.constant 0 : index
    %get3A_14 = arith.constant 0 : index
    %get3A_15 = vector.load %arg2[%get3A_13, %get3A_14] : memref<1024x1024xbf16, #tpu.memory_space<vmem>>, vector<1024x1024xbf16>
    %gt3A = arith.constant 0.000000e+00 : bf16
    %gt3A_16 = vector.broadcast %gt3A : bf16 to vector<1024x1024xbf16>
    %gt3A_17 = arith.cmpf ogt, %get3A_15, %gt3A_16 : vector<1024x1024xbf16>
    %jit3A = arith.constant -9.000000e+15 : f32
    %broadcast_in_dim3A = vector.broadcast %jit3A : f32 to vector<1024x1024xf32>
    %select_n3A_18 = arith.select %gt3A_17, %select_n3A, %broadcast_in_dim3A : vector<1024x1024xi1>, vector<1024x1024xf32>
    %reduce_max3A = arith.constant dense<0xFF800000> : vector<1024xf32>
    %reduce_max3A_19 = vector.multi_reduction <maximumf>, %select_n3A_18, %reduce_max3A [1] : vector<1024x1024xf32> to vector<1024xf32>
    %broadcast_in_dim3A_20 = vector.shape_cast %reduce_max3A_19 : vector<1024xf32> to vector<1024x1xf32>
    %get3A_21 = arith.constant 0 : index
    %get3A_22 = arith.constant 0 : index
    %get3A_23 = vector.load %arg7[%get3A_21, %get3A_22] : memref<1024x1xf32, #tpu.memory_space<vmem>>, vector<1024x1xf32>
    %max3A = arith.maximumf %get3A_23, %broadcast_in_dim3A_20 : vector<1024x1xf32>
    %eq3A_24 = arith.cmpf oeq, %get3A_23, %max3A : vector<1024x1xf32>
    %broadcast_in_dim3A_25 = arith.constant 0.000000e+00 : f32
    %broadcast_in_dim3A_26 = vector.broadcast %broadcast_in_dim3A_25 : f32 to vector<1024x1xf32>
    %sub3A = arith.subf %get3A_23, %max3A : vector<1024x1xf32>
    %select_n3A_27 = arith.select %eq3A_24, %broadcast_in_dim3A_26, %sub3A : vector<1024x1xi1>, vector<1024x1xf32>
    %sub3A_28 = vector.broadcast %max3A : vector<1024x1xf32> to vector<1024x1024xf32>
    %sub3A_29 = arith.subf %select_n3A_18, %sub3A_28 : vector<1024x1024xf32>
    %exp3A = math.exp %sub3A_29 : vector<1024x1024xf32>
    %reduce_sum3A = arith.constant dense<0.000000e+00> : vector<1024xf32>
    %reduce_sum3A_30 = vector.multi_reduction <add>, %exp3A, %reduce_sum3A [1] : vector<1024x1024xf32> to vector<1024xf32>
    %broadcast_in_dim3A_31 = vector.shape_cast %reduce_sum3A_30 : vector<1024xf32> to vector<1024x1xf32>
    %get3A_32 = arith.constant 0 : index
    %get3A_33 = arith.constant 0 : index
    %get3A_34 = vector.load %arg8[%get3A_32, %get3A_33] : memref<1024x1xf32, #tpu.memory_space<vmem>>, vector<1024x1xf32>
    %exp3A_35 = math.exp %select_n3A_27 : vector<1024x1xf32>
    %mul3A_36 = arith.mulf %exp3A_35, %get3A_34 : vector<1024x1xf32>
    %add3A_37 = arith.addf %mul3A_36, %broadcast_in_dim3A_31 : vector<1024x1xf32>
    %exp3A_38 = math.exp %select_n3A_27 : vector<1024x1xf32>
    %mul3A_39 = arith.mulf %exp3A_38, %get3A_34 : vector<1024x1xf32>
    %get3A_40 = arith.constant 0 : index
    %get3A_41 = arith.constant 0 : index
    %get3A_42 = vector.load %arg6[%get3A_40, %get3A_41] : memref<1024x64xf32, #tpu.memory_space<vmem>>, vector<1024x64xf32>
    %mul3A_43 = vector.broadcast %mul3A_39 : vector<1024x1xf32> to vector<1024x64xf32>
    %mul3A_44 = arith.mulf %mul3A_43, %get3A_42 : vector<1024x64xf32>
    %get3A_45 = arith.constant 0 : index
    %get3A_46 = arith.constant 0 : index
    %get3A_47 = vector.load %arg5[%get3A_45, %get3A_46] : memref<1024x64xf32, #tpu.memory_space<vmem>>, vector<1024x64xf32>
    %dot_general3A = arith.constant dense<0.000000e+00> : vector<1024x64xf32>
    %dot_general3A_48 = tpu.matmul %exp3A, %get3A_47, %dot_general3A {dimension_numbers = #tpu.dot_dimension_numbers<[1], [0], [0], [1], [0, 0, 1, 1], [], []>, transpose_lhs_hint = false} : vector<1024x1024xf32>, vector<1024x64xf32>, vector<1024x64xf32> -> vector<1024x64xf32>
    %add3A_49 = arith.addf %dot_general3A_48, %mul3A_44 : vector<1024x64xf32>
    %div3A = arith.constant 1.000000e+00 : f32
    %div3A_50 = vector.broadcast %div3A : f32 to vector<1024x1xf32>
    %div3A_51 = arith.divf %div3A_50, %add3A_37 : vector<1024x1xf32>
    %mul3A_52 = vector.broadcast %div3A_51 : vector<1024x1xf32> to vector<1024x64xf32>
    %mul3A_53 = arith.mulf %add3A_49, %mul3A_52 : vector<1024x64xf32>
    %swap3A = arith.constant 0 : index
    %swap3A_54 = arith.constant 0 : index
    %swap3A_55 = vector.load %arg7[%swap3A, %swap3A_54] : memref<1024x1xf32, #tpu.memory_space<vmem>>, vector<1024x1xf32>
    tpu.vector_store %arg7[%swap3A, %swap3A_54], %max3A {strides = array<i32>} : memref<1024x1xf32, #tpu.memory_space<vmem>>, vector<1024x1xf32>,
    %swap3A_56 = arith.constant 0 : index
    %swap3A_57 = arith.constant 0 : index
    %swap3A_58 = vector.load %arg8[%swap3A_56, %swap3A_57] : memref<1024x1xf32, #tpu.memory_space<vmem>>, vector<1024x1xf32>
    tpu.vector_store %arg8[%swap3A_56, %swap3A_57], %add3A_37 {strides = array<i32>} : memref<1024x1xf32, #tpu.memory_space<vmem>>, vector<1024x1xf32>,
    %swap3A_59 = arith.constant 0 : index
    %swap3A_60 = arith.constant 0 : index
    %swap3A_61 = vector.load %arg6[%swap3A_59, %swap3A_60] : memref<1024x64xf32, #tpu.memory_space<vmem>>, vector<1024x64xf32>
    tpu.vector_store %arg6[%swap3A_59, %swap3A_60], %mul3A_53 {strides = array<i32>} : memref<1024x64xf32, #tpu.memory_space<vmem>>, vector<1024x64xf32>,
    return
  }
  func.func @transform_0(%arg0: i32, %arg1: i32) -> (i32, i32) {
    %c0_i32 = arith.constant 0 : i32
    return %arg0, %arg1 : i32, i32
  }
  func.func @transform_1(%arg0: i32, %arg1: i32) -> (i32, i32) {
    %c0_i32 = arith.constant 0 : i32
    %c0_i32_0 = arith.constant 0 : i32
    return %arg0, %c0_i32 : i32, i32
  }
  func.func @transform_2(%arg0: i32, %arg1: i32) -> (i32, i32) {
    %c0_i32 = arith.constant 0 : i32
    %c0_i32_0 = arith.constant 0 : i32
    return %c0_i32, %arg1 : i32, i32
  }
  func.func @transform_3(%arg0: i32, %arg1: i32) -> (i32, i32) {
    %c0_i32 = arith.constant 0 : i32
    %c0_i32_0 = arith.constant 0 : i32
    return %arg1, %c0_i32 : i32, i32
  }
  func.func @transform_4(%arg0: i32, %arg1: i32) -> (i32, i32) {
    %c0_i32 = arith.constant 0 : i32
    %c0_i32_0 = arith.constant 0 : i32
    return %arg0, %c0_i32 : i32, i32
  }
}

module attributes {stable_mosaic.version = 14 : i64} {
  func.func @_prep_body(%arg0: memref<4096x64xf32, #tpu.memory_space<vmem>>, %arg1: memref<64x64xf32, #tpu.memory_space<vmem>>, %arg2: memref<64x2xf32, #tpu.memory_space<vmem>>, %arg3: memref<4096x64xf32, #tpu.memory_space<vmem>>, %arg4: memref<4096x2xf32, #tpu.memory_space<vmem>>) attributes {dimension_semantics = [], scalar_prefetch = 0 : i64, scratch_operands = 0 : i64, tpu.core_type = #tpu.core_type<tc>} {
    %get3A = arith.constant 0 : index
    %get3A_0 = arith.constant 0 : index
    %get3A_1 = vector.load %arg0[%get3A, %get3A_0] : memref<4096x64xf32, #tpu.memory_space<vmem>>, vector<4096x64xf32>
    %get3A_2 = arith.constant 0 : index
    %get3A_3 = arith.constant 0 : index
    %get3A_4 = vector.load %arg1[%get3A_2, %get3A_3] : memref<64x64xf32, #tpu.memory_space<vmem>>, vector<64x64xf32>
    %dot_general3A = arith.constant dense<0.000000e+00> : vector<4096x64xf32>
    %dot_general3A_5 = tpu.matmul %get3A_1, %get3A_4, %dot_general3A {dimension_numbers = #tpu.dot_dimension_numbers<[1], [0], [0], [1], [0, 0, 1, 1], [], []>, transpose_lhs_hint = false} : vector<4096x64xf32>, vector<64x64xf32>, vector<4096x64xf32> -> vector<4096x64xf32>
    %swap3A = arith.constant 0 : index
    %swap3A_6 = arith.constant 0 : index
    %swap3A_7 = vector.load %arg3[%swap3A, %swap3A_6] : memref<4096x64xf32, #tpu.memory_space<vmem>>, vector<4096x64xf32>
    tpu.vector_store %arg3[%swap3A, %swap3A_6], %dot_general3A_5 {strides = array<i32>} : memref<4096x64xf32, #tpu.memory_space<vmem>>, vector<4096x64xf32>,
    %get3A_8 = arith.constant 0 : index
    %get3A_9 = arith.constant 0 : index
    %get3A_10 = vector.load %arg2[%get3A_8, %get3A_9] : memref<64x2xf32, #tpu.memory_space<vmem>>, vector<64x2xf32>
    %dot_general3A_11 = arith.constant dense<0.000000e+00> : vector<4096x2xf32>
    %dot_general3A_12 = tpu.matmul %dot_general3A_5, %get3A_10, %dot_general3A_11 {dimension_numbers = #tpu.dot_dimension_numbers<[1], [0], [0], [1], [0, 0, 1, 1], [], []>, transpose_lhs_hint = false} : vector<4096x64xf32>, vector<64x2xf32>, vector<4096x2xf32> -> vector<4096x2xf32>
    %swap3A_13 = arith.constant 0 : index
    %swap3A_14 = arith.constant 0 : index
    %swap3A_15 = vector.load %arg4[%swap3A_13, %swap3A_14] : memref<4096x2xf32, #tpu.memory_space<vmem>>, vector<4096x2xf32>
    tpu.vector_store %arg4[%swap3A_13, %swap3A_14], %dot_general3A_12 {strides = array<i32>} : memref<4096x2xf32, #tpu.memory_space<vmem>>, vector<4096x2xf32>,
    return
  }
}

module attributes {stable_mosaic.version = 14 : i64} {
  func.func @_scores_body(%arg0: memref<4096x64xf32, #tpu.memory_space<vmem>>, %arg1: memref<64x1xf32, #tpu.memory_space<vmem>>, %arg2: memref<1x1xf32, #tpu.memory_space<vmem>>, %arg3: memref<4096x1xf32, #tpu.memory_space<vmem>>) attributes {dimension_semantics = [], scalar_prefetch = 0 : i64, scratch_operands = 0 : i64, tpu.core_type = #tpu.core_type<tc>} {
    %get3A = arith.constant 0 : index
    %get3A_0 = arith.constant 0 : index
    %get3A_1 = vector.load %arg0[%get3A, %get3A_0] : memref<4096x64xf32, #tpu.memory_space<vmem>>, vector<4096x64xf32>
    %get3A_2 = arith.constant 0 : index
    %get3A_3 = arith.constant 0 : index
    %get3A_4 = vector.load %arg1[%get3A_2, %get3A_3] : memref<64x1xf32, #tpu.memory_space<vmem>>, vector<64x1xf32>
    %dot_general3A = arith.constant dense<0.000000e+00> : vector<4096x1xf32>
    %dot_general3A_5 = tpu.matmul %get3A_1, %get3A_4, %dot_general3A {dimension_numbers = #tpu.dot_dimension_numbers<[1], [0], [0], [1], [0, 0, 1, 1], [], []>, transpose_lhs_hint = false} : vector<4096x64xf32>, vector<64x1xf32>, vector<4096x1xf32> -> vector<4096x1xf32>
    %get3A_6 = arith.constant 0 : index
    %get3A_7 = arith.constant 0 : index
    %get3A_8 = vector.load %arg2[%get3A_6, %get3A_7] : memref<1x1xf32, #tpu.memory_space<vmem>>, vector<1x1xf32>
    %div3A = vector.broadcast %get3A_8 : vector<1x1xf32> to vector<4096x1xf32>
    %div3A_9 = arith.divf %dot_general3A_5, %div3A : vector<4096x1xf32>
    %neg3A = arith.constant 0.000000e+00 : f32
    %neg3A_10 = vector.broadcast %neg3A : f32 to vector<4096x1xf32>
    %neg3A_11 = arith.subf %neg3A_10, %div3A_9 : vector<4096x1xf32>
    %exp3A = math.exp %neg3A_11 : vector<4096x1xf32>
    %add3A = arith.constant 1.000000e+00 : f32
    %add3A_12 = vector.broadcast %add3A : f32 to vector<4096x1xf32>
    %add3A_13 = arith.addf %add3A_12, %exp3A : vector<4096x1xf32>
    %div3A_14 = arith.constant 1.000000e+00 : f32
    %div3A_15 = vector.broadcast %div3A_14 : f32 to vector<4096x1xf32>
    %div3A_16 = arith.divf %div3A_15, %add3A_13 : vector<4096x1xf32>
    %swap3A = arith.constant 0 : index
    %swap3A_17 = arith.constant 0 : index
    %swap3A_18 = vector.load %arg3[%swap3A, %swap3A_17] : memref<4096x1xf32, #tpu.memory_space<vmem>>, vector<4096x1xf32>
    tpu.vector_store %arg3[%swap3A, %swap3A_17], %div3A_16 {strides = array<i32>} : memref<4096x1xf32, #tpu.memory_space<vmem>>, vector<4096x1xf32>,
    return
  }
}

module attributes {stable_mosaic.version = 14 : i64} {
  func.func @_rank_body(%arg0: i32, %arg1: memref<4096x1xf32, #tpu.memory_space<vmem>>, %arg2: memref<1x256xf32, #tpu.memory_space<vmem>>, %arg3: memref<1x256xi32, #tpu.memory_space<vmem>>, %arg4: memref<1x256xf32, #tpu.memory_space<vmem>>) attributes {dimension_semantics = [#tpu.dimension_semantics<arbitrary>], iteration_bounds = array<i64: 16>, scalar_prefetch = 0 : i64, scratch_operands = 0 : i64, tpu.core_type = #tpu.core_type<tc>, window_params = [{pipeline_mode = #tpu.pipeline_mode<synchronous>, transform_indices = @transform_0, window_bounds = array<i64: 4096, 1>}, {transform_indices = @transform_1, window_bounds = array<i64: 1, 256>}, {transform_indices = @transform_2, window_bounds = array<i64: 1, 256>}, {transform_indices = @transform_3, window_bounds = array<i64: 1, 256>}]} {
    %get3A = arith.constant 0 : index
    %get3A_0 = arith.constant 0 : index
    %get3A_1 = vector.load %arg1[%get3A, %get3A_0] : memref<4096x1xf32, #tpu.memory_space<vmem>>, vector<4096x1xf32>
    %get3A_2 = arith.constant 0 : index
    %get3A_3 = arith.constant 0 : index
    %get3A_4 = vector.load %arg2[%get3A_2, %get3A_3] : memref<1x256xf32, #tpu.memory_space<vmem>>, vector<1x256xf32>
    %iota3A = tpu.iota {dimensions = array<i32: 0>} : vector<4096x256xi32>
    %mul3A = arith.constant 256 : i32
    %mul3A_5 = arith.muli %arg0, %mul3A : i32
    %iota3A_6 = tpu.iota {dimensions = array<i32: 1>} : vector<4096x256xi32>
    %add3A = vector.broadcast %mul3A_5 : i32 to vector<4096x256xi32>
    %add3A_7 = arith.addi %add3A, %iota3A_6 : vector<4096x256xi32>
    %gt3A = vector.broadcast %get3A_1 : vector<4096x1xf32> to vector<4096x256xf32>
    %gt3A_8 = vector.broadcast %get3A_4 : vector<1x256xf32> to vector<4096x256xf32>
    %gt3A_9 = arith.cmpf ogt, %gt3A, %gt3A_8 : vector<4096x256xf32>
    %convert_element_type3A = arith.extui %gt3A_9 : vector<4096x256xi1> to vector<4096x256xi32>
    %eq3A = vector.broadcast %get3A_1 : vector<4096x1xf32> to vector<4096x256xf32>
    %eq3A_10 = vector.broadcast %get3A_4 : vector<1x256xf32> to vector<4096x256xf32>
    %eq3A_11 = arith.cmpf oeq, %eq3A, %eq3A_10 : vector<4096x256xf32>
    %lt3A = arith.cmpi slt, %iota3A, %add3A_7 : vector<4096x256xi32>
    %and3A = arith.andi %eq3A_11, %lt3A : vector<4096x256xi1>
    %convert_element_type3A_12 = arith.extui %and3A : vector<4096x256xi1> to vector<4096x256xi32>
    %add3A_13 = arith.addi %convert_element_type3A, %convert_element_type3A_12 : vector<4096x256xi32>
    %reduce_sum3A = arith.constant dense<0> : vector<256xi32>
    %reduce_sum3A_14 = vector.multi_reduction <add>, %add3A_13, %reduce_sum3A [0] : vector<4096x256xi32> to vector<256xi32>
    %broadcast_in_dim3A = vector.shape_cast %reduce_sum3A_14 : vector<256xi32> to vector<1x256xi32>
    %swap3A = arith.constant 0 : index
    %swap3A_15 = arith.constant 0 : index
    %swap3A_16 = vector.load %arg3[%swap3A, %swap3A_15] : memref<1x256xi32, #tpu.memory_space<vmem>>, vector<1x256xi32>
    tpu.vector_store %arg3[%swap3A, %swap3A_15], %broadcast_in_dim3A {strides = array<i32>} : memref<1x256xi32, #tpu.memory_space<vmem>>, vector<1x256xi32>,
    %add3A_17 = arith.constant 1 : i32
    %add3A_18 = vector.broadcast %add3A_17 : i32 to vector<1x256xi32>
    %add3A_19 = arith.addi %broadcast_in_dim3A, %add3A_18 : vector<1x256xi32>
    %convert_element_type3A_20 = arith.sitofp %add3A_19 : vector<1x256xi32> to vector<1x256xf32>
    %swap3A_21 = arith.constant 0 : index
    %swap3A_22 = arith.constant 0 : index
    %swap3A_23 = vector.load %arg4[%swap3A_21, %swap3A_22] : memref<1x256xf32, #tpu.memory_space<vmem>>, vector<1x256xf32>
    tpu.vector_store %arg4[%swap3A_21, %swap3A_22], %convert_element_type3A_20 {strides = array<i32>} : memref<1x256xf32, #tpu.memory_space<vmem>>, vector<1x256xf32>,
    return
  }
  func.func @transform_0(%arg0: i32) -> (i32, i32) {
    %c0_i32 = arith.constant 0 : i32
    %c0_i32_0 = arith.constant 0 : i32
    %c0_i32_1 = arith.constant 0 : i32
    return %c0_i32, %c0_i32_0 : i32, i32
  }
  func.func @transform_1(%arg0: i32) -> (i32, i32) {
    %c0_i32 = arith.constant 0 : i32
    %c0_i32_0 = arith.constant 0 : i32
    return %c0_i32, %arg0 : i32, i32
  }
  func.func @transform_2(%arg0: i32) -> (i32, i32) {
    %c0_i32 = arith.constant 0 : i32
    %c0_i32_0 = arith.constant 0 : i32
    return %c0_i32, %arg0 : i32, i32
  }
  func.func @transform_3(%arg0: i32) -> (i32, i32) {
    %c0_i32 = arith.constant 0 : i32
    %c0_i32_0 = arith.constant 0 : i32
    return %c0_i32, %arg0 : i32, i32
  }
}

module attributes {stable_mosaic.version = 14 : i64} {
  func.func @_select_body(%arg0: i32, %arg1: memref<1x4096xi32, #tpu.memory_space<vmem>>, %arg2: memref<1x4096xf32, #tpu.memory_space<vmem>>, %arg3: memref<4096x64xf32, #tpu.memory_space<vmem>>, %arg4: memref<256x64xf32, #tpu.memory_space<vmem>>, %arg5: memref<256x1xi32, #tpu.memory_space<vmem>>) attributes {dimension_semantics = [#tpu.dimension_semantics<arbitrary>], iteration_bounds = array<i64: 8>, scalar_prefetch = 0 : i64, scratch_operands = 0 : i64, tpu.core_type = #tpu.core_type<tc>, window_params = [{pipeline_mode = #tpu.pipeline_mode<synchronous>, transform_indices = @transform_0, window_bounds = array<i64: 1, 4096>}, {pipeline_mode = #tpu.pipeline_mode<synchronous>, transform_indices = @transform_1, window_bounds = array<i64: 1, 4096>}, {pipeline_mode = #tpu.pipeline_mode<synchronous>, transform_indices = @transform_2, window_bounds = array<i64: 4096, 64>}, {transform_indices = @transform_3, window_bounds = array<i64: 256, 64>}, {transform_indices = @transform_4, window_bounds = array<i64: 256, 1>}]} {
    %mul3A = arith.constant 256 : i32
    %mul3A_0 = arith.muli %arg0, %mul3A : i32
    %iota3A = tpu.iota {dimensions = array<i32: 0>} : vector<256x4096xi32>
    %add3A = vector.broadcast %mul3A_0 : i32 to vector<256x4096xi32>
    %add3A_1 = arith.addi %add3A, %iota3A : vector<256x4096xi32>
    %get3A = arith.constant 0 : index
    %get3A_2 = arith.constant 0 : index
    %get3A_3 = vector.load %arg1[%get3A, %get3A_2] : memref<1x4096xi32, #tpu.memory_space<vmem>>, vector<1x4096xi32>
    %eq3A = vector.broadcast %get3A_3 : vector<1x4096xi32> to vector<256x4096xi32>
    %eq3A_4 = arith.cmpi eq, %eq3A, %add3A_1 : vector<256x4096xi32>
    %get3A_5 = arith.constant 0 : index
    %get3A_6 = arith.constant 0 : index
    %get3A_7 = vector.load %arg2[%get3A_5, %get3A_6] : memref<1x4096xf32, #tpu.memory_space<vmem>>, vector<1x4096xf32>
    %jit3A = arith.constant 0.000000e+00 : f32
    %broadcast_in_dim3A = vector.shape_cast %get3A_7 : vector<1x4096xf32> to vector<1x4096xf32>
    %broadcast_in_dim3A_8 = vector.broadcast %broadcast_in_dim3A : vector<1x4096xf32> to vector<256x4096xf32>
    %broadcast_in_dim3A_9 = vector.broadcast %jit3A : f32 to vector<256x4096xf32>
    %select_n3A = arith.select %eq3A_4, %broadcast_in_dim3A_8, %broadcast_in_dim3A_9 : vector<256x4096xi1>, vector<256x4096xf32>
    %reduce_sum3A = arith.constant dense<0.000000e+00> : vector<256xf32>
    %reduce_sum3A_10 = vector.multi_reduction <add>, %select_n3A, %reduce_sum3A [1] : vector<256x4096xf32> to vector<256xf32>
    %broadcast_in_dim3A_11 = vector.shape_cast %reduce_sum3A_10 : vector<256xf32> to vector<256x1xf32>
    %convert_element_type3A = arith.extui %eq3A_4 : vector<256x4096xi1> to vector<256x4096xi32>
    %convert_element_type3A_12 = arith.sitofp %convert_element_type3A : vector<256x4096xi32> to vector<256x4096xf32>
    %get3A_13 = arith.constant 0 : index
    %get3A_14 = arith.constant 0 : index
    %get3A_15 = vector.load %arg3[%get3A_13, %get3A_14] : memref<4096x64xf32, #tpu.memory_space<vmem>>, vector<4096x64xf32>
    %dot_general3A = arith.constant dense<0.000000e+00> : vector<256x64xf32>
    %dot_general3A_16 = tpu.matmul %convert_element_type3A_12, %get3A_15, %dot_general3A {dimension_numbers = #tpu.dot_dimension_numbers<[1], [0], [0], [1], [0, 0, 1, 1], [], []>, precision = #tpu.contract_precision<fp32>, transpose_lhs_hint = false} : vector<256x4096xf32>, vector<4096x64xf32>, vector<256x64xf32> -> vector<256x64xf32>
    %mul3A_17 = vector.broadcast %broadcast_in_dim3A_11 : vector<256x1xf32> to vector<256x64xf32>
    %mul3A_18 = arith.mulf %dot_general3A_16, %mul3A_17 : vector<256x64xf32>
    %swap3A = arith.constant 0 : index
    %swap3A_19 = arith.constant 0 : index
    %swap3A_20 = vector.load %arg4[%swap3A, %swap3A_19] : memref<256x64xf32, #tpu.memory_space<vmem>>, vector<256x64xf32>
    tpu.vector_store %arg4[%swap3A, %swap3A_19], %mul3A_18 {strides = array<i32>} : memref<256x64xf32, #tpu.memory_space<vmem>>, vector<256x64xf32>,
    %iota3A_21 = tpu.iota {dimensions = array<i32: 1>} : vector<256x4096xi32>
    %jit3A_22 = arith.constant 0 : i32
    %broadcast_in_dim3A_23 = vector.broadcast %jit3A_22 : i32 to vector<256x4096xi32>
    %select_n3A_24 = arith.select %eq3A_4, %iota3A_21, %broadcast_in_dim3A_23 : vector<256x4096xi1>, vector<256x4096xi32>
    %reduce_sum3A_25 = arith.constant dense<0> : vector<256xi32>
    %reduce_sum3A_26 = vector.multi_reduction <add>, %select_n3A_24, %reduce_sum3A_25 [1] : vector<256x4096xi32> to vector<256xi32>
    %broadcast_in_dim3A_27 = vector.shape_cast %reduce_sum3A_26 : vector<256xi32> to vector<256x1xi32>
    %swap3A_28 = arith.constant 0 : index
    %swap3A_29 = arith.constant 0 : index
    %swap3A_30 = vector.load %arg5[%swap3A_28, %swap3A_29] : memref<256x1xi32, #tpu.memory_space<vmem>>, vector<256x1xi32>
    tpu.vector_store %arg5[%swap3A_28, %swap3A_29], %broadcast_in_dim3A_27 {strides = array<i32>} : memref<256x1xi32, #tpu.memory_space<vmem>>, vector<256x1xi32>,
    return
  }
  func.func @transform_0(%arg0: i32) -> (i32, i32) {
    %c0_i32 = arith.constant 0 : i32
    %c0_i32_0 = arith.constant 0 : i32
    %c0_i32_1 = arith.constant 0 : i32
    return %c0_i32, %c0_i32_0 : i32, i32
  }
  func.func @transform_1(%arg0: i32) -> (i32, i32) {
    %c0_i32 = arith.constant 0 : i32
    %c0_i32_0 = arith.constant 0 : i32
    %c0_i32_1 = arith.constant 0 : i32
    return %c0_i32, %c0_i32_0 : i32, i32
  }
  func.func @transform_2(%arg0: i32) -> (i32, i32) {
    %c0_i32 = arith.constant 0 : i32
    %c0_i32_0 = arith.constant 0 : i32
    %c0_i32_1 = arith.constant 0 : i32
    return %c0_i32, %c0_i32_0 : i32, i32
  }
  func.func @transform_3(%arg0: i32) -> (i32, i32) {
    %c0_i32 = arith.constant 0 : i32
    %c0_i32_0 = arith.constant 0 : i32
    return %arg0, %c0_i32 : i32, i32
  }
  func.func @transform_4(%arg0: i32) -> (i32, i32) {
    %c0_i32 = arith.constant 0 : i32
    %c0_i32_0 = arith.constant 0 : i32
    return %arg0, %c0_i32 : i32, i32
  }
}

module attributes {stable_mosaic.version = 14 : i64} {
  func.func @_r2c_body(%arg0: i32, %arg1: memref<1x4096xi32, #tpu.memory_space<vmem>>, %arg2: memref<512x1xi32, #tpu.memory_space<vmem>>) attributes {dimension_semantics = [#tpu.dimension_semantics<arbitrary>], iteration_bounds = array<i64: 8>, scalar_prefetch = 0 : i64, scratch_operands = 0 : i64, tpu.core_type = #tpu.core_type<tc>, window_params = [{pipeline_mode = #tpu.pipeline_mode<synchronous>, transform_indices = @transform_0, window_bounds = array<i64: 1, 4096>}, {transform_indices = @transform_1, window_bounds = array<i64: 512, 1>}]} {
    %iota3A = tpu.iota {dimensions = array<i32: 1>} : vector<512x4096xi32>
    %mul3A = arith.constant 512 : i32
    %mul3A_0 = arith.muli %arg0, %mul3A : i32
    %iota3A_1 = tpu.iota {dimensions = array<i32: 0>} : vector<512x4096xi32>
    %add3A = vector.broadcast %mul3A_0 : i32 to vector<512x4096xi32>
    %add3A_2 = arith.addi %add3A, %iota3A_1 : vector<512x4096xi32>
    %get3A = arith.constant 0 : index
    %get3A_3 = arith.constant 0 : index
    %get3A_4 = vector.load %arg1[%get3A, %get3A_3] : memref<1x4096xi32, #tpu.memory_space<vmem>>, vector<1x4096xi32>
    %eq3A = arith.cmpi eq, %iota3A, %add3A_2 : vector<512x4096xi32>
    %broadcast_in_dim3A = arith.constant 0 : i32
    %broadcast_in_dim3A_5 = vector.broadcast %broadcast_in_dim3A : i32 to vector<1x4096xi32>
    %broadcast_in_dim3A_6 = vector.shape_cast %get3A_4 : vector<1x4096xi32> to vector<1x4096xi32>
    %broadcast_in_dim3A_7 = vector.broadcast %broadcast_in_dim3A_6 : vector<1x4096xi32> to vector<512x4096xi32>
    %broadcast_in_dim3A_8 = vector.shape_cast %broadcast_in_dim3A_5 : vector<1x4096xi32> to vector<1x4096xi32>
    %broadcast_in_dim3A_9 = vector.broadcast %broadcast_in_dim3A_8 : vector<1x4096xi32> to vector<512x4096xi32>
    %select_n3A = arith.select %eq3A, %broadcast_in_dim3A_7, %broadcast_in_dim3A_9 : vector<512x4096xi1>, vector<512x4096xi32>
    %reduce_sum3A = arith.constant dense<0> : vector<512xi32>
    %reduce_sum3A_10 = vector.multi_reduction <add>, %select_n3A, %reduce_sum3A [1] : vector<512x4096xi32> to vector<512xi32>
    %broadcast_in_dim3A_11 = vector.shape_cast %reduce_sum3A_10 : vector<512xi32> to vector<512x1xi32>
    %swap3A = arith.constant 0 : index
    %swap3A_12 = arith.constant 0 : index
    %swap3A_13 = vector.load %arg2[%swap3A, %swap3A_12] : memref<512x1xi32, #tpu.memory_space<vmem>>, vector<512x1xi32>
    tpu.vector_store %arg2[%swap3A, %swap3A_12], %broadcast_in_dim3A_11 {strides = array<i32>} : memref<512x1xi32, #tpu.memory_space<vmem>>, vector<512x1xi32>,
    return
  }
  func.func @transform_0(%arg0: i32) -> (i32, i32) {
    %c0_i32 = arith.constant 0 : i32
    %c0_i32_0 = arith.constant 0 : i32
    %c0_i32_1 = arith.constant 0 : i32
    return %c0_i32, %c0_i32_0 : i32, i32
  }
  func.func @transform_1(%arg0: i32) -> (i32, i32) {
    %c0_i32 = arith.constant 0 : i32
    %c0_i32_0 = arith.constant 0 : i32
    return %arg0, %c0_i32 : i32, i32
  }
}

module attributes {stable_mosaic.version = 14 : i64} {
  func.func @_prep_body(%arg0: memref<2048x64xf32, #tpu.memory_space<vmem>>, %arg1: memref<64x64xf32, #tpu.memory_space<vmem>>, %arg2: memref<64x2xf32, #tpu.memory_space<vmem>>, %arg3: memref<2048x64xf32, #tpu.memory_space<vmem>>, %arg4: memref<2048x2xf32, #tpu.memory_space<vmem>>) attributes {dimension_semantics = [], scalar_prefetch = 0 : i64, scratch_operands = 0 : i64, tpu.core_type = #tpu.core_type<tc>} {
    %get3A = arith.constant 0 : index
    %get3A_0 = arith.constant 0 : index
    %get3A_1 = vector.load %arg0[%get3A, %get3A_0] : memref<2048x64xf32, #tpu.memory_space<vmem>>, vector<2048x64xf32>
    %get3A_2 = arith.constant 0 : index
    %get3A_3 = arith.constant 0 : index
    %get3A_4 = vector.load %arg1[%get3A_2, %get3A_3] : memref<64x64xf32, #tpu.memory_space<vmem>>, vector<64x64xf32>
    %dot_general3A = arith.constant dense<0.000000e+00> : vector<2048x64xf32>
    %dot_general3A_5 = tpu.matmul %get3A_1, %get3A_4, %dot_general3A {dimension_numbers = #tpu.dot_dimension_numbers<[1], [0], [0], [1], [0, 0, 1, 1], [], []>, transpose_lhs_hint = false} : vector<2048x64xf32>, vector<64x64xf32>, vector<2048x64xf32> -> vector<2048x64xf32>
    %swap3A = arith.constant 0 : index
    %swap3A_6 = arith.constant 0 : index
    %swap3A_7 = vector.load %arg3[%swap3A, %swap3A_6] : memref<2048x64xf32, #tpu.memory_space<vmem>>, vector<2048x64xf32>
    tpu.vector_store %arg3[%swap3A, %swap3A_6], %dot_general3A_5 {strides = array<i32>} : memref<2048x64xf32, #tpu.memory_space<vmem>>, vector<2048x64xf32>,
    %get3A_8 = arith.constant 0 : index
    %get3A_9 = arith.constant 0 : index
    %get3A_10 = vector.load %arg2[%get3A_8, %get3A_9] : memref<64x2xf32, #tpu.memory_space<vmem>>, vector<64x2xf32>
    %dot_general3A_11 = arith.constant dense<0.000000e+00> : vector<2048x2xf32>
    %dot_general3A_12 = tpu.matmul %dot_general3A_5, %get3A_10, %dot_general3A_11 {dimension_numbers = #tpu.dot_dimension_numbers<[1], [0], [0], [1], [0, 0, 1, 1], [], []>, transpose_lhs_hint = false} : vector<2048x64xf32>, vector<64x2xf32>, vector<2048x2xf32> -> vector<2048x2xf32>
    %swap3A_13 = arith.constant 0 : index
    %swap3A_14 = arith.constant 0 : index
    %swap3A_15 = vector.load %arg4[%swap3A_13, %swap3A_14] : memref<2048x2xf32, #tpu.memory_space<vmem>>, vector<2048x2xf32>
    tpu.vector_store %arg4[%swap3A_13, %swap3A_14], %dot_general3A_12 {strides = array<i32>} : memref<2048x2xf32, #tpu.memory_space<vmem>>, vector<2048x2xf32>,
    return
  }
}

module attributes {stable_mosaic.version = 14 : i64} {
  func.func @_c2r_body(%arg0: i32, %arg1: memref<2048x1xf32, #tpu.memory_space<vmem>>, %arg2: memref<1x512xf32, #tpu.memory_space<vmem>>) attributes {dimension_semantics = [#tpu.dimension_semantics<arbitrary>], iteration_bounds = array<i64: 4>, scalar_prefetch = 0 : i64, scratch_operands = 0 : i64, tpu.core_type = #tpu.core_type<tc>, window_params = [{pipeline_mode = #tpu.pipeline_mode<synchronous>, transform_indices = @transform_0, window_bounds = array<i64: 2048, 1>}, {transform_indices = @transform_1, window_bounds = array<i64: 1, 512>}]} {
    %iota3A = tpu.iota {dimensions = array<i32: 0>} : vector<2048x512xi32>
    %mul3A = arith.constant 512 : i32
    %mul3A_0 = arith.muli %arg0, %mul3A : i32
    %iota3A_1 = tpu.iota {dimensions = array<i32: 1>} : vector<2048x512xi32>
    %add3A = vector.broadcast %mul3A_0 : i32 to vector<2048x512xi32>
    %add3A_2 = arith.addi %add3A, %iota3A_1 : vector<2048x512xi32>
    %get3A = arith.constant 0 : index
    %get3A_3 = arith.constant 0 : index
    %get3A_4 = vector.load %arg1[%get3A, %get3A_3] : memref<2048x1xf32, #tpu.memory_space<vmem>>, vector<2048x1xf32>
    %eq3A = arith.cmpi eq, %iota3A, %add3A_2 : vector<2048x512xi32>
    %broadcast_in_dim3A = arith.constant 0.000000e+00 : f32
    %broadcast_in_dim3A_5 = vector.broadcast %broadcast_in_dim3A : f32 to vector<2048x1xf32>
    %broadcast_in_dim3A_6 = vector.shape_cast %get3A_4 : vector<2048x1xf32> to vector<2048x1xf32>
    %broadcast_in_dim3A_7 = vector.broadcast %broadcast_in_dim3A_6 : vector<2048x1xf32> to vector<2048x512xf32>
    %broadcast_in_dim3A_8 = vector.shape_cast %broadcast_in_dim3A_5 : vector<2048x1xf32> to vector<2048x1xf32>
    %broadcast_in_dim3A_9 = vector.broadcast %broadcast_in_dim3A_8 : vector<2048x1xf32> to vector<2048x512xf32>
    %select_n3A = arith.select %eq3A, %broadcast_in_dim3A_7, %broadcast_in_dim3A_9 : vector<2048x512xi1>, vector<2048x512xf32>
    %reduce_sum3A = arith.constant dense<0.000000e+00> : vector<512xf32>
    %reduce_sum3A_10 = vector.multi_reduction <add>, %select_n3A, %reduce_sum3A [0] : vector<2048x512xf32> to vector<512xf32>
    %broadcast_in_dim3A_11 = vector.shape_cast %reduce_sum3A_10 : vector<512xf32> to vector<1x512xf32>
    %swap3A = arith.constant 0 : index
    %swap3A_12 = arith.constant 0 : index
    %swap3A_13 = vector.load %arg2[%swap3A, %swap3A_12] : memref<1x512xf32, #tpu.memory_space<vmem>>, vector<1x512xf32>
    tpu.vector_store %arg2[%swap3A, %swap3A_12], %broadcast_in_dim3A_11 {strides = array<i32>} : memref<1x512xf32, #tpu.memory_space<vmem>>, vector<1x512xf32>,
    return
  }
  func.func @transform_0(%arg0: i32) -> (i32, i32) {
    %c0_i32 = arith.constant 0 : i32
    %c0_i32_0 = arith.constant 0 : i32
    %c0_i32_1 = arith.constant 0 : i32
    return %c0_i32, %c0_i32_0 : i32, i32
  }
  func.func @transform_1(%arg0: i32) -> (i32, i32) {
    %c0_i32 = arith.constant 0 : i32
    %c0_i32_0 = arith.constant 0 : i32
    return %c0_i32, %arg0 : i32, i32
  }
}

module attributes {stable_mosaic.version = 14 : i64} {
  func.func @_poolcol_body(%arg0: i32, %arg1: i32, %arg2: memref<4096x1xi32, #tpu.memory_space<vmem>>, %arg3: memref<256x4096xf32, #tpu.memory_space<vmem>>, %arg4: memref<256x512xf32, #tpu.memory_space<vmem>>) attributes {dimension_semantics = [#tpu.dimension_semantics<arbitrary>, #tpu.dimension_semantics<arbitrary>], iteration_bounds = array<i64: 8, 4>, scalar_prefetch = 0 : i64, scratch_operands = 0 : i64, tpu.core_type = #tpu.core_type<tc>, window_params = [{pipeline_mode = #tpu.pipeline_mode<synchronous>, transform_indices = @transform_0, window_bounds = array<i64: 4096, 1>}, {transform_indices = @transform_1, window_bounds = array<i64: 256, 4096>}, {transform_indices = @transform_2, window_bounds = array<i64: 256, 512>}]} {
    %mul3A = arith.constant 512 : i32
    %mul3A_0 = arith.muli %arg1, %mul3A : i32
    %iota3A = tpu.iota {dimensions = array<i32: 1>} : vector<4096x512xi32>
    %add3A = vector.broadcast %mul3A_0 : i32 to vector<4096x512xi32>
    %add3A_1 = arith.addi %add3A, %iota3A : vector<4096x512xi32>
    %get3A = arith.constant 0 : index
    %get3A_2 = arith.constant 0 : index
    %get3A_3 = vector.load %arg2[%get3A, %get3A_2] : memref<4096x1xi32, #tpu.memory_space<vmem>>, vector<4096x1xi32>
    %eq3A = vector.broadcast %get3A_3 : vector<4096x1xi32> to vector<4096x512xi32>
    %eq3A_4 = arith.cmpi eq, %eq3A, %add3A_1 : vector<4096x512xi32>
    %convert_element_type3A = arith.extui %eq3A_4 : vector<4096x512xi1> to vector<4096x512xi32>
    %convert_element_type3A_5 = arith.sitofp %convert_element_type3A : vector<4096x512xi32> to vector<4096x512xf32>
    %convert_element_type3A_6 = arith.truncf %convert_element_type3A_5 : vector<4096x512xf32> to vector<4096x512xbf16>
    %get3A_7 = arith.constant 0 : index
    %get3A_8 = arith.constant 0 : index
    %get3A_9 = vector.load %arg3[%get3A_7, %get3A_8] : memref<256x4096xf32, #tpu.memory_space<vmem>>, vector<256x4096xf32>
    %convert_element_type3A_10 = arith.truncf %get3A_9 : vector<256x4096xf32> to vector<256x4096xbf16>
    %dot_general3A = arith.constant dense<0.000000e+00> : vector<256x512xf32>
    %dot_general3A_11 = tpu.matmul %convert_element_type3A_10, %convert_element_type3A_6, %dot_general3A {dimension_numbers = #tpu.dot_dimension_numbers<[1], [0], [0], [1], [0, 0, 1, 1], [], []>, transpose_lhs_hint = false} : vector<256x4096xbf16>, vector<4096x512xbf16>, vector<256x512xf32> -> vector<256x512xf32>
    %swap3A = arith.constant 0 : index
    %swap3A_12 = arith.constant 0 : index
    %swap3A_13 = vector.load %arg4[%swap3A, %swap3A_12] : memref<256x512xf32, #tpu.memory_space<vmem>>, vector<256x512xf32>
    tpu.vector_store %arg4[%swap3A, %swap3A_12], %dot_general3A_11 {strides = array<i32>} : memref<256x512xf32, #tpu.memory_space<vmem>>, vector<256x512xf32>,
    return
  }
  func.func @transform_0(%arg0: i32, %arg1: i32) -> (i32, i32) {
    %c0_i32 = arith.constant 0 : i32
    %c0_i32_0 = arith.constant 0 : i32
    %c0_i32_1 = arith.constant 0 : i32
    return %c0_i32, %c0_i32_0 : i32, i32
  }
  func.func @transform_1(%arg0: i32, %arg1: i32) -> (i32, i32) {
    %c0_i32 = arith.constant 0 : i32
    %c0_i32_0 = arith.constant 0 : i32
    return %arg0, %c0_i32 : i32, i32
  }
  func.func @transform_2(%arg0: i32, %arg1: i32) -> (i32, i32) {
    %c0_i32 = arith.constant 0 : i32
    return %arg0, %arg1 : i32, i32
  }
}

module attributes {stable_mosaic.version = 14 : i64} {
  func.func @_gat_online_body(%arg0: i32, %arg1: i32, %arg2: memref<1024x1024xf32, #tpu.memory_space<vmem>>, %arg3: memref<1024x1xf32, #tpu.memory_space<vmem>>, %arg4: memref<1x1024xf32, #tpu.memory_space<vmem>>, %arg5: memref<1024x64xf32, #tpu.memory_space<vmem>>, %arg6: memref<1024x64xf32, #tpu.memory_space<vmem>>, %arg7: memref<1024x1xf32, #tpu.memory_space<vmem>>, %arg8: memref<1024x1xf32, #tpu.memory_space<vmem>>) attributes {dimension_semantics = [#tpu.dimension_semantics<parallel>, #tpu.dimension_semantics<arbitrary>], iteration_bounds = array<i64: 2, 2>, scalar_prefetch = 0 : i64, scratch_operands = 2 : i64, tpu.core_type = #tpu.core_type<tc>, window_params = [{transform_indices = @transform_0, window_bounds = array<i64: 1024, 1024>}, {transform_indices = @transform_1, window_bounds = array<i64: 1024, 1>}, {transform_indices = @transform_2, window_bounds = array<i64: 1, 1024>}, {transform_indices = @transform_3, window_bounds = array<i64: 1024, 64>}, {transform_indices = @transform_4, window_bounds = array<i64: 1024, 64>}]} {
    %eq3A = arith.constant 0 : i32
    %eq3A_0 = arith.cmpi eq, %arg1, %eq3A : i32
    %convert_element_type3A = arith.extui %eq3A_0 : i1 to i32
    %cond3A = arith.constant 0 : i32
    %cond3A_1 = arith.cmpi ne, %convert_element_type3A, %cond3A : i32
    scf.if %cond3A_1 {
      %broadcast_in_dim3A_62 = arith.constant 0xFF800000 : f32
      %broadcast_in_dim3A_63 = vector.broadcast %broadcast_in_dim3A_62 : f32 to vector<1024x1xf32>
      %swap3A_64 = arith.constant 0 : index
      %swap3A_65 = arith.constant 0 : index
      %swap3A_66 = vector.load %arg7[%swap3A_64, %swap3A_65] : memref<1024x1xf32, #tpu.memory_space<vmem>>, vector<1024x1xf32>
      tpu.vector_store %arg7[%swap3A_64, %swap3A_65], %broadcast_in_dim3A_63 {strides = array<i32>} : memref<1024x1xf32, #tpu.memory_space<vmem>>, vector<1024x1xf32>,
      %broadcast_in_dim3A_67 = arith.constant 0.000000e+00 : f32
      %broadcast_in_dim3A_68 = vector.broadcast %broadcast_in_dim3A_67 : f32 to vector<1024x1xf32>
      %swap3A_69 = arith.constant 0 : index
      %swap3A_70 = arith.constant 0 : index
      %swap3A_71 = vector.load %arg8[%swap3A_69, %swap3A_70] : memref<1024x1xf32, #tpu.memory_space<vmem>>, vector<1024x1xf32>
      tpu.vector_store %arg8[%swap3A_69, %swap3A_70], %broadcast_in_dim3A_68 {strides = array<i32>} : memref<1024x1xf32, #tpu.memory_space<vmem>>, vector<1024x1xf32>,
      %broadcast_in_dim3A_72 = arith.constant 0.000000e+00 : f32
      %broadcast_in_dim3A_73 = vector.broadcast %broadcast_in_dim3A_72 : f32 to vector<1024x64xf32>
      %swap3A_74 = arith.constant 0 : index
      %swap3A_75 = arith.constant 0 : index
      %swap3A_76 = vector.load %arg6[%swap3A_74, %swap3A_75] : memref<1024x64xf32, #tpu.memory_space<vmem>>, vector<1024x64xf32>
      tpu.vector_store %arg6[%swap3A_74, %swap3A_75], %broadcast_in_dim3A_73 {strides = array<i32>} : memref<1024x64xf32, #tpu.memory_space<vmem>>, vector<1024x64xf32>,
    } else {
    }
    %get3A = arith.constant 0 : index
    %get3A_2 = arith.constant 0 : index
    %get3A_3 = vector.load %arg3[%get3A, %get3A_2] : memref<1024x1xf32, #tpu.memory_space<vmem>>, vector<1024x1xf32>
    %get3A_4 = arith.constant 0 : index
    %get3A_5 = arith.constant 0 : index
    %get3A_6 = vector.load %arg4[%get3A_4, %get3A_5] : memref<1x1024xf32, #tpu.memory_space<vmem>>, vector<1x1024xf32>
    %add3A = vector.broadcast %get3A_3 : vector<1024x1xf32> to vector<1024x1024xf32>
    %add3A_7 = vector.broadcast %get3A_6 : vector<1x1024xf32> to vector<1024x1024xf32>
    %add3A_8 = arith.addf %add3A, %add3A_7 : vector<1024x1024xf32>
    %ge3A = arith.constant 0.000000e+00 : f32
    %ge3A_9 = vector.broadcast %ge3A : f32 to vector<1024x1024xf32>
    %ge3A_10 = arith.cmpf oge, %add3A_8, %ge3A_9 : vector<1024x1024xf32>
    %mul3A = arith.constant 2.000000e-01 : f32
    %mul3A_11 = vector.broadcast %mul3A : f32 to vector<1024x1024xf32>
    %mul3A_12 = arith.mulf %mul3A_11, %add3A_8 : vector<1024x1024xf32>
    %select_n3A = arith.select %ge3A_10, %add3A_8, %mul3A_12 : vector<1024x1024xi1>, vector<1024x1024xf32>
    %get3A_13 = arith.constant 0 : index
    %get3A_14 = arith.constant 0 : index
    %get3A_15 = vector.load %arg2[%get3A_13, %get3A_14] : memref<1024x1024xf32, #tpu.memory_space<vmem>>, vector<1024x1024xf32>
    %gt3A = arith.constant 0.000000e+00 : f32
    %gt3A_16 = vector.broadcast %gt3A : f32 to vector<1024x1024xf32>
    %gt3A_17 = arith.cmpf ogt, %get3A_15, %gt3A_16 : vector<1024x1024xf32>
    %jit3A = arith.constant -9.000000e+15 : f32
    %broadcast_in_dim3A = vector.broadcast %jit3A : f32 to vector<1024x1024xf32>
    %select_n3A_18 = arith.select %gt3A_17, %select_n3A, %broadcast_in_dim3A : vector<1024x1024xi1>, vector<1024x1024xf32>
    %reduce_max3A = arith.constant dense<0xFF800000> : vector<1024xf32>
    %reduce_max3A_19 = vector.multi_reduction <maximumf>, %select_n3A_18, %reduce_max3A [1] : vector<1024x1024xf32> to vector<1024xf32>
    %broadcast_in_dim3A_20 = vector.shape_cast %reduce_max3A_19 : vector<1024xf32> to vector<1024x1xf32>
    %get3A_21 = arith.constant 0 : index
    %get3A_22 = arith.constant 0 : index
    %get3A_23 = vector.load %arg7[%get3A_21, %get3A_22] : memref<1024x1xf32, #tpu.memory_space<vmem>>, vector<1024x1xf32>
    %max3A = arith.maximumf %get3A_23, %broadcast_in_dim3A_20 : vector<1024x1xf32>
    %eq3A_24 = arith.cmpf oeq, %get3A_23, %max3A : vector<1024x1xf32>
    %broadcast_in_dim3A_25 = arith.constant 0.000000e+00 : f32
    %broadcast_in_dim3A_26 = vector.broadcast %broadcast_in_dim3A_25 : f32 to vector<1024x1xf32>
    %sub3A = arith.subf %get3A_23, %max3A : vector<1024x1xf32>
    %select_n3A_27 = arith.select %eq3A_24, %broadcast_in_dim3A_26, %sub3A : vector<1024x1xi1>, vector<1024x1xf32>
    %sub3A_28 = vector.broadcast %max3A : vector<1024x1xf32> to vector<1024x1024xf32>
    %sub3A_29 = arith.subf %select_n3A_18, %sub3A_28 : vector<1024x1024xf32>
    %exp3A = math.exp %sub3A_29 : vector<1024x1024xf32>
    %reduce_sum3A = arith.constant dense<0.000000e+00> : vector<1024xf32>
    %reduce_sum3A_30 = vector.multi_reduction <add>, %exp3A, %reduce_sum3A [1] : vector<1024x1024xf32> to vector<1024xf32>
    %broadcast_in_dim3A_31 = vector.shape_cast %reduce_sum3A_30 : vector<1024xf32> to vector<1024x1xf32>
    %get3A_32 = arith.constant 0 : index
    %get3A_33 = arith.constant 0 : index
    %get3A_34 = vector.load %arg8[%get3A_32, %get3A_33] : memref<1024x1xf32, #tpu.memory_space<vmem>>, vector<1024x1xf32>
    %exp3A_35 = math.exp %select_n3A_27 : vector<1024x1xf32>
    %mul3A_36 = arith.mulf %exp3A_35, %get3A_34 : vector<1024x1xf32>
    %add3A_37 = arith.addf %mul3A_36, %broadcast_in_dim3A_31 : vector<1024x1xf32>
    %exp3A_38 = math.exp %select_n3A_27 : vector<1024x1xf32>
    %mul3A_39 = arith.mulf %exp3A_38, %get3A_34 : vector<1024x1xf32>
    %get3A_40 = arith.constant 0 : index
    %get3A_41 = arith.constant 0 : index
    %get3A_42 = vector.load %arg6[%get3A_40, %get3A_41] : memref<1024x64xf32, #tpu.memory_space<vmem>>, vector<1024x64xf32>
    %mul3A_43 = vector.broadcast %mul3A_39 : vector<1024x1xf32> to vector<1024x64xf32>
    %mul3A_44 = arith.mulf %mul3A_43, %get3A_42 : vector<1024x64xf32>
    %get3A_45 = arith.constant 0 : index
    %get3A_46 = arith.constant 0 : index
    %get3A_47 = vector.load %arg5[%get3A_45, %get3A_46] : memref<1024x64xf32, #tpu.memory_space<vmem>>, vector<1024x64xf32>
    %dot_general3A = arith.constant dense<0.000000e+00> : vector<1024x64xf32>
    %dot_general3A_48 = tpu.matmul %exp3A, %get3A_47, %dot_general3A {dimension_numbers = #tpu.dot_dimension_numbers<[1], [0], [0], [1], [0, 0, 1, 1], [], []>, transpose_lhs_hint = false} : vector<1024x1024xf32>, vector<1024x64xf32>, vector<1024x64xf32> -> vector<1024x64xf32>
    %add3A_49 = arith.addf %dot_general3A_48, %mul3A_44 : vector<1024x64xf32>
    %div3A = arith.constant 1.000000e+00 : f32
    %div3A_50 = vector.broadcast %div3A : f32 to vector<1024x1xf32>
    %div3A_51 = arith.divf %div3A_50, %add3A_37 : vector<1024x1xf32>
    %mul3A_52 = vector.broadcast %div3A_51 : vector<1024x1xf32> to vector<1024x64xf32>
    %mul3A_53 = arith.mulf %add3A_49, %mul3A_52 : vector<1024x64xf32>
    %swap3A = arith.constant 0 : index
    %swap3A_54 = arith.constant 0 : index
    %swap3A_55 = vector.load %arg7[%swap3A, %swap3A_54] : memref<1024x1xf32, #tpu.memory_space<vmem>>, vector<1024x1xf32>
    tpu.vector_store %arg7[%swap3A, %swap3A_54], %max3A {strides = array<i32>} : memref<1024x1xf32, #tpu.memory_space<vmem>>, vector<1024x1xf32>,
    %swap3A_56 = arith.constant 0 : index
    %swap3A_57 = arith.constant 0 : index
    %swap3A_58 = vector.load %arg8[%swap3A_56, %swap3A_57] : memref<1024x1xf32, #tpu.memory_space<vmem>>, vector<1024x1xf32>
    tpu.vector_store %arg8[%swap3A_56, %swap3A_57], %add3A_37 {strides = array<i32>} : memref<1024x1xf32, #tpu.memory_space<vmem>>, vector<1024x1xf32>,
    %swap3A_59 = arith.constant 0 : index
    %swap3A_60 = arith.constant 0 : index
    %swap3A_61 = vector.load %arg6[%swap3A_59, %swap3A_60] : memref<1024x64xf32, #tpu.memory_space<vmem>>, vector<1024x64xf32>
    tpu.vector_store %arg6[%swap3A_59, %swap3A_60], %mul3A_53 {strides = array<i32>} : memref<1024x64xf32, #tpu.memory_space<vmem>>, vector<1024x64xf32>,
    return
  }
  func.func @transform_0(%arg0: i32, %arg1: i32) -> (i32, i32) {
    %c0_i32 = arith.constant 0 : i32
    return %arg0, %arg1 : i32, i32
  }
  func.func @transform_1(%arg0: i32, %arg1: i32) -> (i32, i32) {
    %c0_i32 = arith.constant 0 : i32
    %c0_i32_0 = arith.constant 0 : i32
    return %arg0, %c0_i32 : i32, i32
  }
  func.func @transform_2(%arg0: i32, %arg1: i32) -> (i32, i32) {
    %c0_i32 = arith.constant 0 : i32
    %c0_i32_0 = arith.constant 0 : i32
    return %c0_i32, %arg1 : i32, i32
  }
  func.func @transform_3(%arg0: i32, %arg1: i32) -> (i32, i32) {
    %c0_i32 = arith.constant 0 : i32
    %c0_i32_0 = arith.constant 0 : i32
    return %arg1, %c0_i32 : i32, i32
  }
  func.func @transform_4(%arg0: i32, %arg1: i32) -> (i32, i32) {
    %c0_i32 = arith.constant 0 : i32
    %c0_i32_0 = arith.constant 0 : i32
    return %arg0, %c0_i32 : i32, i32
  }
}

module attributes {stable_mosaic.version = 14 : i64} {
  func.func @_scores_body(%arg0: memref<2048x64xf32, #tpu.memory_space<vmem>>, %arg1: memref<64x1xf32, #tpu.memory_space<vmem>>, %arg2: memref<1x1xf32, #tpu.memory_space<vmem>>, %arg3: memref<2048x1xf32, #tpu.memory_space<vmem>>) attributes {dimension_semantics = [], scalar_prefetch = 0 : i64, scratch_operands = 0 : i64, tpu.core_type = #tpu.core_type<tc>} {
    %get3A = arith.constant 0 : index
    %get3A_0 = arith.constant 0 : index
    %get3A_1 = vector.load %arg0[%get3A, %get3A_0] : memref<2048x64xf32, #tpu.memory_space<vmem>>, vector<2048x64xf32>
    %get3A_2 = arith.constant 0 : index
    %get3A_3 = arith.constant 0 : index
    %get3A_4 = vector.load %arg1[%get3A_2, %get3A_3] : memref<64x1xf32, #tpu.memory_space<vmem>>, vector<64x1xf32>
    %dot_general3A = arith.constant dense<0.000000e+00> : vector<2048x1xf32>
    %dot_general3A_5 = tpu.matmul %get3A_1, %get3A_4, %dot_general3A {dimension_numbers = #tpu.dot_dimension_numbers<[1], [0], [0], [1], [0, 0, 1, 1], [], []>, transpose_lhs_hint = false} : vector<2048x64xf32>, vector<64x1xf32>, vector<2048x1xf32> -> vector<2048x1xf32>
    %get3A_6 = arith.constant 0 : index
    %get3A_7 = arith.constant 0 : index
    %get3A_8 = vector.load %arg2[%get3A_6, %get3A_7] : memref<1x1xf32, #tpu.memory_space<vmem>>, vector<1x1xf32>
    %div3A = vector.broadcast %get3A_8 : vector<1x1xf32> to vector<2048x1xf32>
    %div3A_9 = arith.divf %dot_general3A_5, %div3A : vector<2048x1xf32>
    %neg3A = arith.constant 0.000000e+00 : f32
    %neg3A_10 = vector.broadcast %neg3A : f32 to vector<2048x1xf32>
    %neg3A_11 = arith.subf %neg3A_10, %div3A_9 : vector<2048x1xf32>
    %exp3A = math.exp %neg3A_11 : vector<2048x1xf32>
    %add3A = arith.constant 1.000000e+00 : f32
    %add3A_12 = vector.broadcast %add3A : f32 to vector<2048x1xf32>
    %add3A_13 = arith.addf %add3A_12, %exp3A : vector<2048x1xf32>
    %div3A_14 = arith.constant 1.000000e+00 : f32
    %div3A_15 = vector.broadcast %div3A_14 : f32 to vector<2048x1xf32>
    %div3A_16 = arith.divf %div3A_15, %add3A_13 : vector<2048x1xf32>
    %swap3A = arith.constant 0 : index
    %swap3A_17 = arith.constant 0 : index
    %swap3A_18 = vector.load %arg3[%swap3A, %swap3A_17] : memref<2048x1xf32, #tpu.memory_space<vmem>>, vector<2048x1xf32>
    tpu.vector_store %arg3[%swap3A, %swap3A_17], %div3A_16 {strides = array<i32>} : memref<2048x1xf32, #tpu.memory_space<vmem>>, vector<2048x1xf32>,
    return
  }
}

module attributes {stable_mosaic.version = 14 : i64} {
  func.func @_rank_body(%arg0: i32, %arg1: memref<2048x1xf32, #tpu.memory_space<vmem>>, %arg2: memref<1x256xf32, #tpu.memory_space<vmem>>, %arg3: memref<1x256xi32, #tpu.memory_space<vmem>>, %arg4: memref<1x256xf32, #tpu.memory_space<vmem>>) attributes {dimension_semantics = [#tpu.dimension_semantics<arbitrary>], iteration_bounds = array<i64: 8>, scalar_prefetch = 0 : i64, scratch_operands = 0 : i64, tpu.core_type = #tpu.core_type<tc>, window_params = [{pipeline_mode = #tpu.pipeline_mode<synchronous>, transform_indices = @transform_0, window_bounds = array<i64: 2048, 1>}, {transform_indices = @transform_1, window_bounds = array<i64: 1, 256>}, {transform_indices = @transform_2, window_bounds = array<i64: 1, 256>}, {transform_indices = @transform_3, window_bounds = array<i64: 1, 256>}]} {
    %get3A = arith.constant 0 : index
    %get3A_0 = arith.constant 0 : index
    %get3A_1 = vector.load %arg1[%get3A, %get3A_0] : memref<2048x1xf32, #tpu.memory_space<vmem>>, vector<2048x1xf32>
    %get3A_2 = arith.constant 0 : index
    %get3A_3 = arith.constant 0 : index
    %get3A_4 = vector.load %arg2[%get3A_2, %get3A_3] : memref<1x256xf32, #tpu.memory_space<vmem>>, vector<1x256xf32>
    %iota3A = tpu.iota {dimensions = array<i32: 0>} : vector<2048x256xi32>
    %mul3A = arith.constant 256 : i32
    %mul3A_5 = arith.muli %arg0, %mul3A : i32
    %iota3A_6 = tpu.iota {dimensions = array<i32: 1>} : vector<2048x256xi32>
    %add3A = vector.broadcast %mul3A_5 : i32 to vector<2048x256xi32>
    %add3A_7 = arith.addi %add3A, %iota3A_6 : vector<2048x256xi32>
    %gt3A = vector.broadcast %get3A_1 : vector<2048x1xf32> to vector<2048x256xf32>
    %gt3A_8 = vector.broadcast %get3A_4 : vector<1x256xf32> to vector<2048x256xf32>
    %gt3A_9 = arith.cmpf ogt, %gt3A, %gt3A_8 : vector<2048x256xf32>
    %convert_element_type3A = arith.extui %gt3A_9 : vector<2048x256xi1> to vector<2048x256xi32>
    %eq3A = vector.broadcast %get3A_1 : vector<2048x1xf32> to vector<2048x256xf32>
    %eq3A_10 = vector.broadcast %get3A_4 : vector<1x256xf32> to vector<2048x256xf32>
    %eq3A_11 = arith.cmpf oeq, %eq3A, %eq3A_10 : vector<2048x256xf32>
    %lt3A = arith.cmpi slt, %iota3A, %add3A_7 : vector<2048x256xi32>
    %and3A = arith.andi %eq3A_11, %lt3A : vector<2048x256xi1>
    %convert_element_type3A_12 = arith.extui %and3A : vector<2048x256xi1> to vector<2048x256xi32>
    %add3A_13 = arith.addi %convert_element_type3A, %convert_element_type3A_12 : vector<2048x256xi32>
    %reduce_sum3A = arith.constant dense<0> : vector<256xi32>
    %reduce_sum3A_14 = vector.multi_reduction <add>, %add3A_13, %reduce_sum3A [0] : vector<2048x256xi32> to vector<256xi32>
    %broadcast_in_dim3A = vector.shape_cast %reduce_sum3A_14 : vector<256xi32> to vector<1x256xi32>
    %swap3A = arith.constant 0 : index
    %swap3A_15 = arith.constant 0 : index
    %swap3A_16 = vector.load %arg3[%swap3A, %swap3A_15] : memref<1x256xi32, #tpu.memory_space<vmem>>, vector<1x256xi32>
    tpu.vector_store %arg3[%swap3A, %swap3A_15], %broadcast_in_dim3A {strides = array<i32>} : memref<1x256xi32, #tpu.memory_space<vmem>>, vector<1x256xi32>,
    %add3A_17 = arith.constant 1 : i32
    %add3A_18 = vector.broadcast %add3A_17 : i32 to vector<1x256xi32>
    %add3A_19 = arith.addi %broadcast_in_dim3A, %add3A_18 : vector<1x256xi32>
    %convert_element_type3A_20 = arith.sitofp %add3A_19 : vector<1x256xi32> to vector<1x256xf32>
    %swap3A_21 = arith.constant 0 : index
    %swap3A_22 = arith.constant 0 : index
    %swap3A_23 = vector.load %arg4[%swap3A_21, %swap3A_22] : memref<1x256xf32, #tpu.memory_space<vmem>>, vector<1x256xf32>
    tpu.vector_store %arg4[%swap3A_21, %swap3A_22], %convert_element_type3A_20 {strides = array<i32>} : memref<1x256xf32, #tpu.memory_space<vmem>>, vector<1x256xf32>,
    return
  }
  func.func @transform_0(%arg0: i32) -> (i32, i32) {
    %c0_i32 = arith.constant 0 : i32
    %c0_i32_0 = arith.constant 0 : i32
    %c0_i32_1 = arith.constant 0 : i32
    return %c0_i32, %c0_i32_0 : i32, i32
  }
  func.func @transform_1(%arg0: i32) -> (i32, i32) {
    %c0_i32 = arith.constant 0 : i32
    %c0_i32_0 = arith.constant 0 : i32
    return %c0_i32, %arg0 : i32, i32
  }
  func.func @transform_2(%arg0: i32) -> (i32, i32) {
    %c0_i32 = arith.constant 0 : i32
    %c0_i32_0 = arith.constant 0 : i32
    return %c0_i32, %arg0 : i32, i32
  }
  func.func @transform_3(%arg0: i32) -> (i32, i32) {
    %c0_i32 = arith.constant 0 : i32
    %c0_i32_0 = arith.constant 0 : i32
    return %c0_i32, %arg0 : i32, i32
  }
}

module attributes {stable_mosaic.version = 14 : i64} {
  func.func @_select_body(%arg0: i32, %arg1: memref<1x2048xi32, #tpu.memory_space<vmem>>, %arg2: memref<1x2048xf32, #tpu.memory_space<vmem>>, %arg3: memref<2048x64xf32, #tpu.memory_space<vmem>>, %arg4: memref<256x64xf32, #tpu.memory_space<vmem>>, %arg5: memref<256x1xi32, #tpu.memory_space<vmem>>) attributes {dimension_semantics = [#tpu.dimension_semantics<arbitrary>], iteration_bounds = array<i64: 4>, scalar_prefetch = 0 : i64, scratch_operands = 0 : i64, tpu.core_type = #tpu.core_type<tc>, window_params = [{pipeline_mode = #tpu.pipeline_mode<synchronous>, transform_indices = @transform_0, window_bounds = array<i64: 1, 2048>}, {pipeline_mode = #tpu.pipeline_mode<synchronous>, transform_indices = @transform_1, window_bounds = array<i64: 1, 2048>}, {pipeline_mode = #tpu.pipeline_mode<synchronous>, transform_indices = @transform_2, window_bounds = array<i64: 2048, 64>}, {transform_indices = @transform_3, window_bounds = array<i64: 256, 64>}, {transform_indices = @transform_4, window_bounds = array<i64: 256, 1>}]} {
    %mul3A = arith.constant 256 : i32
    %mul3A_0 = arith.muli %arg0, %mul3A : i32
    %iota3A = tpu.iota {dimensions = array<i32: 0>} : vector<256x2048xi32>
    %add3A = vector.broadcast %mul3A_0 : i32 to vector<256x2048xi32>
    %add3A_1 = arith.addi %add3A, %iota3A : vector<256x2048xi32>
    %get3A = arith.constant 0 : index
    %get3A_2 = arith.constant 0 : index
    %get3A_3 = vector.load %arg1[%get3A, %get3A_2] : memref<1x2048xi32, #tpu.memory_space<vmem>>, vector<1x2048xi32>
    %eq3A = vector.broadcast %get3A_3 : vector<1x2048xi32> to vector<256x2048xi32>
    %eq3A_4 = arith.cmpi eq, %eq3A, %add3A_1 : vector<256x2048xi32>
    %get3A_5 = arith.constant 0 : index
    %get3A_6 = arith.constant 0 : index
    %get3A_7 = vector.load %arg2[%get3A_5, %get3A_6] : memref<1x2048xf32, #tpu.memory_space<vmem>>, vector<1x2048xf32>
    %jit3A = arith.constant 0.000000e+00 : f32
    %broadcast_in_dim3A = vector.shape_cast %get3A_7 : vector<1x2048xf32> to vector<1x2048xf32>
    %broadcast_in_dim3A_8 = vector.broadcast %broadcast_in_dim3A : vector<1x2048xf32> to vector<256x2048xf32>
    %broadcast_in_dim3A_9 = vector.broadcast %jit3A : f32 to vector<256x2048xf32>
    %select_n3A = arith.select %eq3A_4, %broadcast_in_dim3A_8, %broadcast_in_dim3A_9 : vector<256x2048xi1>, vector<256x2048xf32>
    %reduce_sum3A = arith.constant dense<0.000000e+00> : vector<256xf32>
    %reduce_sum3A_10 = vector.multi_reduction <add>, %select_n3A, %reduce_sum3A [1] : vector<256x2048xf32> to vector<256xf32>
    %broadcast_in_dim3A_11 = vector.shape_cast %reduce_sum3A_10 : vector<256xf32> to vector<256x1xf32>
    %convert_element_type3A = arith.extui %eq3A_4 : vector<256x2048xi1> to vector<256x2048xi32>
    %convert_element_type3A_12 = arith.sitofp %convert_element_type3A : vector<256x2048xi32> to vector<256x2048xf32>
    %get3A_13 = arith.constant 0 : index
    %get3A_14 = arith.constant 0 : index
    %get3A_15 = vector.load %arg3[%get3A_13, %get3A_14] : memref<2048x64xf32, #tpu.memory_space<vmem>>, vector<2048x64xf32>
    %dot_general3A = arith.constant dense<0.000000e+00> : vector<256x64xf32>
    %dot_general3A_16 = tpu.matmul %convert_element_type3A_12, %get3A_15, %dot_general3A {dimension_numbers = #tpu.dot_dimension_numbers<[1], [0], [0], [1], [0, 0, 1, 1], [], []>, precision = #tpu.contract_precision<fp32>, transpose_lhs_hint = false} : vector<256x2048xf32>, vector<2048x64xf32>, vector<256x64xf32> -> vector<256x64xf32>
    %mul3A_17 = vector.broadcast %broadcast_in_dim3A_11 : vector<256x1xf32> to vector<256x64xf32>
    %mul3A_18 = arith.mulf %dot_general3A_16, %mul3A_17 : vector<256x64xf32>
    %swap3A = arith.constant 0 : index
    %swap3A_19 = arith.constant 0 : index
    %swap3A_20 = vector.load %arg4[%swap3A, %swap3A_19] : memref<256x64xf32, #tpu.memory_space<vmem>>, vector<256x64xf32>
    tpu.vector_store %arg4[%swap3A, %swap3A_19], %mul3A_18 {strides = array<i32>} : memref<256x64xf32, #tpu.memory_space<vmem>>, vector<256x64xf32>,
    %iota3A_21 = tpu.iota {dimensions = array<i32: 1>} : vector<256x2048xi32>
    %jit3A_22 = arith.constant 0 : i32
    %broadcast_in_dim3A_23 = vector.broadcast %jit3A_22 : i32 to vector<256x2048xi32>
    %select_n3A_24 = arith.select %eq3A_4, %iota3A_21, %broadcast_in_dim3A_23 : vector<256x2048xi1>, vector<256x2048xi32>
    %reduce_sum3A_25 = arith.constant dense<0> : vector<256xi32>
    %reduce_sum3A_26 = vector.multi_reduction <add>, %select_n3A_24, %reduce_sum3A_25 [1] : vector<256x2048xi32> to vector<256xi32>
    %broadcast_in_dim3A_27 = vector.shape_cast %reduce_sum3A_26 : vector<256xi32> to vector<256x1xi32>
    %swap3A_28 = arith.constant 0 : index
    %swap3A_29 = arith.constant 0 : index
    %swap3A_30 = vector.load %arg5[%swap3A_28, %swap3A_29] : memref<256x1xi32, #tpu.memory_space<vmem>>, vector<256x1xi32>
    tpu.vector_store %arg5[%swap3A_28, %swap3A_29], %broadcast_in_dim3A_27 {strides = array<i32>} : memref<256x1xi32, #tpu.memory_space<vmem>>, vector<256x1xi32>,
    return
  }
  func.func @transform_0(%arg0: i32) -> (i32, i32) {
    %c0_i32 = arith.constant 0 : i32
    %c0_i32_0 = arith.constant 0 : i32
    %c0_i32_1 = arith.constant 0 : i32
    return %c0_i32, %c0_i32_0 : i32, i32
  }
  func.func @transform_1(%arg0: i32) -> (i32, i32) {
    %c0_i32 = arith.constant 0 : i32
    %c0_i32_0 = arith.constant 0 : i32
    %c0_i32_1 = arith.constant 0 : i32
    return %c0_i32, %c0_i32_0 : i32, i32
  }
  func.func @transform_2(%arg0: i32) -> (i32, i32) {
    %c0_i32 = arith.constant 0 : i32
    %c0_i32_0 = arith.constant 0 : i32
    %c0_i32_1 = arith.constant 0 : i32
    return %c0_i32, %c0_i32_0 : i32, i32
  }
  func.func @transform_3(%arg0: i32) -> (i32, i32) {
    %c0_i32 = arith.constant 0 : i32
    %c0_i32_0 = arith.constant 0 : i32
    return %arg0, %c0_i32 : i32, i32
  }
  func.func @transform_4(%arg0: i32) -> (i32, i32) {
    %c0_i32 = arith.constant 0 : i32
    %c0_i32_0 = arith.constant 0 : i32
    return %arg0, %c0_i32 : i32, i32
  }
}

module attributes {stable_mosaic.version = 14 : i64} {
  func.func @_r2c_body(%arg0: i32, %arg1: memref<1x2048xi32, #tpu.memory_space<vmem>>, %arg2: memref<512x1xi32, #tpu.memory_space<vmem>>) attributes {dimension_semantics = [#tpu.dimension_semantics<arbitrary>], iteration_bounds = array<i64: 4>, scalar_prefetch = 0 : i64, scratch_operands = 0 : i64, tpu.core_type = #tpu.core_type<tc>, window_params = [{pipeline_mode = #tpu.pipeline_mode<synchronous>, transform_indices = @transform_0, window_bounds = array<i64: 1, 2048>}, {transform_indices = @transform_1, window_bounds = array<i64: 512, 1>}]} {
    %iota3A = tpu.iota {dimensions = array<i32: 1>} : vector<512x2048xi32>
    %mul3A = arith.constant 512 : i32
    %mul3A_0 = arith.muli %arg0, %mul3A : i32
    %iota3A_1 = tpu.iota {dimensions = array<i32: 0>} : vector<512x2048xi32>
    %add3A = vector.broadcast %mul3A_0 : i32 to vector<512x2048xi32>
    %add3A_2 = arith.addi %add3A, %iota3A_1 : vector<512x2048xi32>
    %get3A = arith.constant 0 : index
    %get3A_3 = arith.constant 0 : index
    %get3A_4 = vector.load %arg1[%get3A, %get3A_3] : memref<1x2048xi32, #tpu.memory_space<vmem>>, vector<1x2048xi32>
    %eq3A = arith.cmpi eq, %iota3A, %add3A_2 : vector<512x2048xi32>
    %broadcast_in_dim3A = arith.constant 0 : i32
    %broadcast_in_dim3A_5 = vector.broadcast %broadcast_in_dim3A : i32 to vector<1x2048xi32>
    %broadcast_in_dim3A_6 = vector.shape_cast %get3A_4 : vector<1x2048xi32> to vector<1x2048xi32>
    %broadcast_in_dim3A_7 = vector.broadcast %broadcast_in_dim3A_6 : vector<1x2048xi32> to vector<512x2048xi32>
    %broadcast_in_dim3A_8 = vector.shape_cast %broadcast_in_dim3A_5 : vector<1x2048xi32> to vector<1x2048xi32>
    %broadcast_in_dim3A_9 = vector.broadcast %broadcast_in_dim3A_8 : vector<1x2048xi32> to vector<512x2048xi32>
    %select_n3A = arith.select %eq3A, %broadcast_in_dim3A_7, %broadcast_in_dim3A_9 : vector<512x2048xi1>, vector<512x2048xi32>
    %reduce_sum3A = arith.constant dense<0> : vector<512xi32>
    %reduce_sum3A_10 = vector.multi_reduction <add>, %select_n3A, %reduce_sum3A [1] : vector<512x2048xi32> to vector<512xi32>
    %broadcast_in_dim3A_11 = vector.shape_cast %reduce_sum3A_10 : vector<512xi32> to vector<512x1xi32>
    %swap3A = arith.constant 0 : index
    %swap3A_12 = arith.constant 0 : index
    %swap3A_13 = vector.load %arg2[%swap3A, %swap3A_12] : memref<512x1xi32, #tpu.memory_space<vmem>>, vector<512x1xi32>
    tpu.vector_store %arg2[%swap3A, %swap3A_12], %broadcast_in_dim3A_11 {strides = array<i32>} : memref<512x1xi32, #tpu.memory_space<vmem>>, vector<512x1xi32>,
    return
  }
  func.func @transform_0(%arg0: i32) -> (i32, i32) {
    %c0_i32 = arith.constant 0 : i32
    %c0_i32_0 = arith.constant 0 : i32
    %c0_i32_1 = arith.constant 0 : i32
    return %c0_i32, %c0_i32_0 : i32, i32
  }
  func.func @transform_1(%arg0: i32) -> (i32, i32) {
    %c0_i32 = arith.constant 0 : i32
    %c0_i32_0 = arith.constant 0 : i32
    return %arg0, %c0_i32 : i32, i32
  }
}

module attributes {stable_mosaic.version = 14 : i64} {
  func.func @_r2c_body(%arg0: i32, %arg1: memref<1x2048xf32, #tpu.memory_space<vmem>>, %arg2: memref<512x1xf32, #tpu.memory_space<vmem>>) attributes {dimension_semantics = [#tpu.dimension_semantics<arbitrary>], iteration_bounds = array<i64: 4>, scalar_prefetch = 0 : i64, scratch_operands = 0 : i64, tpu.core_type = #tpu.core_type<tc>, window_params = [{pipeline_mode = #tpu.pipeline_mode<synchronous>, transform_indices = @transform_0, window_bounds = array<i64: 1, 2048>}, {transform_indices = @transform_1, window_bounds = array<i64: 512, 1>}]} {
    %iota3A = tpu.iota {dimensions = array<i32: 1>} : vector<512x2048xi32>
    %mul3A = arith.constant 512 : i32
    %mul3A_0 = arith.muli %arg0, %mul3A : i32
    %iota3A_1 = tpu.iota {dimensions = array<i32: 0>} : vector<512x2048xi32>
    %add3A = vector.broadcast %mul3A_0 : i32 to vector<512x2048xi32>
    %add3A_2 = arith.addi %add3A, %iota3A_1 : vector<512x2048xi32>
    %get3A = arith.constant 0 : index
    %get3A_3 = arith.constant 0 : index
    %get3A_4 = vector.load %arg1[%get3A, %get3A_3] : memref<1x2048xf32, #tpu.memory_space<vmem>>, vector<1x2048xf32>
    %eq3A = arith.cmpi eq, %iota3A, %add3A_2 : vector<512x2048xi32>
    %broadcast_in_dim3A = arith.constant 0.000000e+00 : f32
    %broadcast_in_dim3A_5 = vector.broadcast %broadcast_in_dim3A : f32 to vector<1x2048xf32>
    %broadcast_in_dim3A_6 = vector.shape_cast %get3A_4 : vector<1x2048xf32> to vector<1x2048xf32>
    %broadcast_in_dim3A_7 = vector.broadcast %broadcast_in_dim3A_6 : vector<1x2048xf32> to vector<512x2048xf32>
    %broadcast_in_dim3A_8 = vector.shape_cast %broadcast_in_dim3A_5 : vector<1x2048xf32> to vector<1x2048xf32>
    %broadcast_in_dim3A_9 = vector.broadcast %broadcast_in_dim3A_8 : vector<1x2048xf32> to vector<512x2048xf32>
    %select_n3A = arith.select %eq3A, %broadcast_in_dim3A_7, %broadcast_in_dim3A_9 : vector<512x2048xi1>, vector<512x2048xf32>
    %reduce_sum3A = arith.constant dense<0.000000e+00> : vector<512xf32>
    %reduce_sum3A_10 = vector.multi_reduction <add>, %select_n3A, %reduce_sum3A [1] : vector<512x2048xf32> to vector<512xf32>
    %broadcast_in_dim3A_11 = vector.shape_cast %reduce_sum3A_10 : vector<512xf32> to vector<512x1xf32>
    %swap3A = arith.constant 0 : index
    %swap3A_12 = arith.constant 0 : index
    %swap3A_13 = vector.load %arg2[%swap3A, %swap3A_12] : memref<512x1xf32, #tpu.memory_space<vmem>>, vector<512x1xf32>
    tpu.vector_store %arg2[%swap3A, %swap3A_12], %broadcast_in_dim3A_11 {strides = array<i32>} : memref<512x1xf32, #tpu.memory_space<vmem>>, vector<512x1xf32>,
    return
  }
  func.func @transform_0(%arg0: i32) -> (i32, i32) {
    %c0_i32 = arith.constant 0 : i32
    %c0_i32_0 = arith.constant 0 : i32
    %c0_i32_1 = arith.constant 0 : i32
    return %c0_i32, %c0_i32_0 : i32, i32
  }
  func.func @transform_1(%arg0: i32) -> (i32, i32) {
    %c0_i32 = arith.constant 0 : i32
    %c0_i32_0 = arith.constant 0 : i32
    return %arg0, %c0_i32 : i32, i32
  }
}

module attributes {stable_mosaic.version = 14 : i64} {
  func.func @_prep_body(%arg0: memref<1024x64xf32, #tpu.memory_space<vmem>>, %arg1: memref<64x64xf32, #tpu.memory_space<vmem>>, %arg2: memref<64x2xf32, #tpu.memory_space<vmem>>, %arg3: memref<1024x64xf32, #tpu.memory_space<vmem>>, %arg4: memref<1024x2xf32, #tpu.memory_space<vmem>>) attributes {dimension_semantics = [], scalar_prefetch = 0 : i64, scratch_operands = 0 : i64, tpu.core_type = #tpu.core_type<tc>} {
    %get3A = arith.constant 0 : index
    %get3A_0 = arith.constant 0 : index
    %get3A_1 = vector.load %arg0[%get3A, %get3A_0] : memref<1024x64xf32, #tpu.memory_space<vmem>>, vector<1024x64xf32>
    %get3A_2 = arith.constant 0 : index
    %get3A_3 = arith.constant 0 : index
    %get3A_4 = vector.load %arg1[%get3A_2, %get3A_3] : memref<64x64xf32, #tpu.memory_space<vmem>>, vector<64x64xf32>
    %dot_general3A = arith.constant dense<0.000000e+00> : vector<1024x64xf32>
    %dot_general3A_5 = tpu.matmul %get3A_1, %get3A_4, %dot_general3A {dimension_numbers = #tpu.dot_dimension_numbers<[1], [0], [0], [1], [0, 0, 1, 1], [], []>, transpose_lhs_hint = false} : vector<1024x64xf32>, vector<64x64xf32>, vector<1024x64xf32> -> vector<1024x64xf32>
    %swap3A = arith.constant 0 : index
    %swap3A_6 = arith.constant 0 : index
    %swap3A_7 = vector.load %arg3[%swap3A, %swap3A_6] : memref<1024x64xf32, #tpu.memory_space<vmem>>, vector<1024x64xf32>
    tpu.vector_store %arg3[%swap3A, %swap3A_6], %dot_general3A_5 {strides = array<i32>} : memref<1024x64xf32, #tpu.memory_space<vmem>>, vector<1024x64xf32>,
    %get3A_8 = arith.constant 0 : index
    %get3A_9 = arith.constant 0 : index
    %get3A_10 = vector.load %arg2[%get3A_8, %get3A_9] : memref<64x2xf32, #tpu.memory_space<vmem>>, vector<64x2xf32>
    %dot_general3A_11 = arith.constant dense<0.000000e+00> : vector<1024x2xf32>
    %dot_general3A_12 = tpu.matmul %dot_general3A_5, %get3A_10, %dot_general3A_11 {dimension_numbers = #tpu.dot_dimension_numbers<[1], [0], [0], [1], [0, 0, 1, 1], [], []>, transpose_lhs_hint = false} : vector<1024x64xf32>, vector<64x2xf32>, vector<1024x2xf32> -> vector<1024x2xf32>
    %swap3A_13 = arith.constant 0 : index
    %swap3A_14 = arith.constant 0 : index
    %swap3A_15 = vector.load %arg4[%swap3A_13, %swap3A_14] : memref<1024x2xf32, #tpu.memory_space<vmem>>, vector<1024x2xf32>
    tpu.vector_store %arg4[%swap3A_13, %swap3A_14], %dot_general3A_12 {strides = array<i32>} : memref<1024x2xf32, #tpu.memory_space<vmem>>, vector<1024x2xf32>,
    return
  }
}

module attributes {stable_mosaic.version = 14 : i64} {
  func.func @_c2r_body(%arg0: i32, %arg1: memref<1024x1xf32, #tpu.memory_space<vmem>>, %arg2: memref<1x512xf32, #tpu.memory_space<vmem>>) attributes {dimension_semantics = [#tpu.dimension_semantics<arbitrary>], iteration_bounds = array<i64: 2>, scalar_prefetch = 0 : i64, scratch_operands = 0 : i64, tpu.core_type = #tpu.core_type<tc>, window_params = [{pipeline_mode = #tpu.pipeline_mode<synchronous>, transform_indices = @transform_0, window_bounds = array<i64: 1024, 1>}, {transform_indices = @transform_1, window_bounds = array<i64: 1, 512>}]} {
    %iota3A = tpu.iota {dimensions = array<i32: 0>} : vector<1024x512xi32>
    %mul3A = arith.constant 512 : i32
    %mul3A_0 = arith.muli %arg0, %mul3A : i32
    %iota3A_1 = tpu.iota {dimensions = array<i32: 1>} : vector<1024x512xi32>
    %add3A = vector.broadcast %mul3A_0 : i32 to vector<1024x512xi32>
    %add3A_2 = arith.addi %add3A, %iota3A_1 : vector<1024x512xi32>
    %get3A = arith.constant 0 : index
    %get3A_3 = arith.constant 0 : index
    %get3A_4 = vector.load %arg1[%get3A, %get3A_3] : memref<1024x1xf32, #tpu.memory_space<vmem>>, vector<1024x1xf32>
    %eq3A = arith.cmpi eq, %iota3A, %add3A_2 : vector<1024x512xi32>
    %broadcast_in_dim3A = arith.constant 0.000000e+00 : f32
    %broadcast_in_dim3A_5 = vector.broadcast %broadcast_in_dim3A : f32 to vector<1024x1xf32>
    %broadcast_in_dim3A_6 = vector.shape_cast %get3A_4 : vector<1024x1xf32> to vector<1024x1xf32>
    %broadcast_in_dim3A_7 = vector.broadcast %broadcast_in_dim3A_6 : vector<1024x1xf32> to vector<1024x512xf32>
    %broadcast_in_dim3A_8 = vector.shape_cast %broadcast_in_dim3A_5 : vector<1024x1xf32> to vector<1024x1xf32>
    %broadcast_in_dim3A_9 = vector.broadcast %broadcast_in_dim3A_8 : vector<1024x1xf32> to vector<1024x512xf32>
    %select_n3A = arith.select %eq3A, %broadcast_in_dim3A_7, %broadcast_in_dim3A_9 : vector<1024x512xi1>, vector<1024x512xf32>
    %reduce_sum3A = arith.constant dense<0.000000e+00> : vector<512xf32>
    %reduce_sum3A_10 = vector.multi_reduction <add>, %select_n3A, %reduce_sum3A [0] : vector<1024x512xf32> to vector<512xf32>
    %broadcast_in_dim3A_11 = vector.shape_cast %reduce_sum3A_10 : vector<512xf32> to vector<1x512xf32>
    %swap3A = arith.constant 0 : index
    %swap3A_12 = arith.constant 0 : index
    %swap3A_13 = vector.load %arg2[%swap3A, %swap3A_12] : memref<1x512xf32, #tpu.memory_space<vmem>>, vector<1x512xf32>
    tpu.vector_store %arg2[%swap3A, %swap3A_12], %broadcast_in_dim3A_11 {strides = array<i32>} : memref<1x512xf32, #tpu.memory_space<vmem>>, vector<1x512xf32>,
    return
  }
  func.func @transform_0(%arg0: i32) -> (i32, i32) {
    %c0_i32 = arith.constant 0 : i32
    %c0_i32_0 = arith.constant 0 : i32
    %c0_i32_1 = arith.constant 0 : i32
    return %c0_i32, %c0_i32_0 : i32, i32
  }
  func.func @transform_1(%arg0: i32) -> (i32, i32) {
    %c0_i32 = arith.constant 0 : i32
    %c0_i32_0 = arith.constant 0 : i32
    return %c0_i32, %arg0 : i32, i32
  }
}

module attributes {stable_mosaic.version = 14 : i64} {
  func.func @_scat_body(%arg0: i32, %arg1: memref<256x1xi32, #tpu.memory_space<vmem>>, %arg2: memref<2048x66xf32, #tpu.memory_space<vmem>>, %arg3: memref<256x66xf32, #tpu.memory_space<vmem>>, %arg4: memref<256x66xf32, #tpu.memory_space<vmem>>, %arg5: memref<256x66xf32, #tpu.memory_space<vmem>>) attributes {dimension_semantics = [#tpu.dimension_semantics<arbitrary>], iteration_bounds = array<i64: 16>, scalar_prefetch = 0 : i64, scratch_operands = 0 : i64, tpu.core_type = #tpu.core_type<tc>, window_params = [{transform_indices = @transform_0, window_bounds = array<i64: 256, 1>}, {pipeline_mode = #tpu.pipeline_mode<synchronous>, transform_indices = @transform_1, window_bounds = array<i64: 2048, 66>}, {transform_indices = @transform_2, window_bounds = array<i64: 256, 66>}, {transform_indices = @transform_3, window_bounds = array<i64: 256, 66>}, {transform_indices = @transform_4, window_bounds = array<i64: 256, 66>}]} {
    %get3A = arith.constant 0 : index
    %get3A_0 = arith.constant 0 : index
    %get3A_1 = vector.load %arg1[%get3A, %get3A_0] : memref<256x1xi32, #tpu.memory_space<vmem>>, vector<256x1xi32>
    %iota3A = tpu.iota {dimensions = array<i32: 1>} : vector<256x2048xi32>
    %eq3A = vector.broadcast %get3A_1 : vector<256x1xi32> to vector<256x2048xi32>
    %eq3A_2 = arith.cmpi eq, %eq3A, %iota3A : vector<256x2048xi32>
    %convert_element_type3A = arith.extui %eq3A_2 : vector<256x2048xi1> to vector<256x2048xi32>
    %convert_element_type3A_3 = arith.sitofp %convert_element_type3A : vector<256x2048xi32> to vector<256x2048xf32>
    %get3A_4 = arith.constant 0 : index
    %get3A_5 = arith.constant 0 : index
    %get3A_6 = vector.load %arg2[%get3A_4, %get3A_5] : memref<2048x66xf32, #tpu.memory_space<vmem>>, vector<2048x66xf32>
    %dot_general3A = arith.constant dense<0.000000e+00> : vector<256x66xf32>
    %dot_general3A_7 = tpu.matmul %convert_element_type3A_3, %get3A_6, %dot_general3A {dimension_numbers = #tpu.dot_dimension_numbers<[1], [0], [0], [1], [0, 0, 1, 1], [], []>, precision = #tpu.contract_precision<fp32>, transpose_lhs_hint = false} : vector<256x2048xf32>, vector<2048x66xf32>, vector<256x66xf32> -> vector<256x66xf32>
    %swap3A = arith.constant 0 : index
    %swap3A_8 = arith.constant 0 : index
    %swap3A_9 = vector.load %arg4[%swap3A, %swap3A_8] : memref<256x66xf32, #tpu.memory_space<vmem>>, vector<256x66xf32>
    tpu.vector_store %arg4[%swap3A, %swap3A_8], %dot_general3A_7 {strides = array<i32>} : memref<256x66xf32, #tpu.memory_space<vmem>>, vector<256x66xf32>,
    %get3A_10 = arith.constant 0 : index
    %get3A_11 = arith.constant 0 : index
    %get3A_12 = vector.load %arg3[%get3A_10, %get3A_11] : memref<256x66xf32, #tpu.memory_space<vmem>>, vector<256x66xf32>
    %add3A = arith.addf %dot_general3A_7, %get3A_12 : vector<256x66xf32>
    %swap3A_13 = arith.constant 0 : index
    %swap3A_14 = arith.constant 0 : index
    %swap3A_15 = vector.load %arg5[%swap3A_13, %swap3A_14] : memref<256x66xf32, #tpu.memory_space<vmem>>, vector<256x66xf32>
    tpu.vector_store %arg5[%swap3A_13, %swap3A_14], %add3A {strides = array<i32>} : memref<256x66xf32, #tpu.memory_space<vmem>>, vector<256x66xf32>,
    return
  }
  func.func @transform_0(%arg0: i32) -> (i32, i32) {
    %c0_i32 = arith.constant 0 : i32
    %c0_i32_0 = arith.constant 0 : i32
    return %arg0, %c0_i32 : i32, i32
  }
  func.func @transform_1(%arg0: i32) -> (i32, i32) {
    %c0_i32 = arith.constant 0 : i32
    %c0_i32_0 = arith.constant 0 : i32
    %c0_i32_1 = arith.constant 0 : i32
    return %c0_i32, %c0_i32_0 : i32, i32
  }
  func.func @transform_2(%arg0: i32) -> (i32, i32) {
    %c0_i32 = arith.constant 0 : i32
    %c0_i32_0 = arith.constant 0 : i32
    return %arg0, %c0_i32 : i32, i32
  }
  func.func @transform_3(%arg0: i32) -> (i32, i32) {
    %c0_i32 = arith.constant 0 : i32
    %c0_i32_0 = arith.constant 0 : i32
    return %arg0, %c0_i32 : i32, i32
  }
  func.func @transform_4(%arg0: i32) -> (i32, i32) {
    %c0_i32 = arith.constant 0 : i32
    %c0_i32_0 = arith.constant 0 : i32
    return %arg0, %c0_i32 : i32, i32
  }
}

module attributes {stable_mosaic.version = 14 : i64} {
  func.func @_gd_body(%arg0: i32, %arg1: memref<512x1xi32, #tpu.memory_space<vmem>>, %arg2: memref<512x1xf32, #tpu.memory_space<vmem>>, %arg3: memref<512x64xf32, #tpu.memory_space<vmem>>, %arg4: memref<512x1xf32, #tpu.memory_space<vmem>>, %arg5: memref<512x64xf32, #tpu.memory_space<vmem>>, %arg6: memref<512x1xf32, #tpu.memory_space<vmem>>, %arg7: memref<512x64xf32, #tpu.memory_space<vmem>>, %arg8: memref<512x64xf32, #tpu.memory_space<vmem>>) attributes {dimension_semantics = [#tpu.dimension_semantics<arbitrary>], iteration_bounds = array<i64: 8>, scalar_prefetch = 0 : i64, scratch_operands = 0 : i64, tpu.core_type = #tpu.core_type<tc>, window_params = [{transform_indices = @transform_0, window_bounds = array<i64: 512, 1>}, {transform_indices = @transform_1, window_bounds = array<i64: 512, 1>}, {transform_indices = @transform_2, window_bounds = array<i64: 512, 64>}, {transform_indices = @transform_3, window_bounds = array<i64: 512, 1>}, {transform_indices = @transform_4, window_bounds = array<i64: 512, 64>}, {transform_indices = @transform_5, window_bounds = array<i64: 512, 1>}, {transform_indices = @transform_6, window_bounds = array<i64: 512, 64>}, {transform_indices = @transform_7, window_bounds = array<i64: 512, 64>}]} {
    %get3A = arith.constant 0 : index
    %get3A_0 = arith.constant 0 : index
    %get3A_1 = vector.load %arg1[%get3A, %get3A_0] : memref<512x1xi32, #tpu.memory_space<vmem>>, vector<512x1xi32>
    %lt3A = arith.constant 2048 : i32
    %lt3A_2 = vector.broadcast %lt3A : i32 to vector<512x1xi32>
    %lt3A_3 = arith.cmpi slt, %get3A_1, %lt3A_2 : vector<512x1xi32>
    %convert_element_type3A = arith.extui %lt3A_3 : vector<512x1xi1> to vector<512x1xi32>
    %convert_element_type3A_4 = arith.sitofp %convert_element_type3A : vector<512x1xi32> to vector<512x1xf32>
    %get3A_5 = arith.constant 0 : index
    %get3A_6 = arith.constant 0 : index
    %get3A_7 = vector.load %arg4[%get3A_5, %get3A_6] : memref<512x1xf32, #tpu.memory_space<vmem>>, vector<512x1xf32>
    %gt3A = arith.constant 0.000000e+00 : f32
    %gt3A_8 = vector.broadcast %gt3A : f32 to vector<512x1xf32>
    %gt3A_9 = arith.cmpf ogt, %get3A_7, %gt3A_8 : vector<512x1xf32>
    %le3A = arith.constant 1.024000e+03 : f32
    %le3A_10 = vector.broadcast %le3A : f32 to vector<512x1xf32>
    %le3A_11 = arith.cmpf ole, %get3A_7, %le3A_10 : vector<512x1xf32>
    %and3A = arith.andi %gt3A_9, %le3A_11 : vector<512x1xi1>
    %convert_element_type3A_12 = arith.extui %and3A : vector<512x1xi1> to vector<512x1xi32>
    %convert_element_type3A_13 = arith.sitofp %convert_element_type3A_12 : vector<512x1xi32> to vector<512x1xf32>
    %get3A_14 = arith.constant 0 : index
    %get3A_15 = arith.constant 0 : index
    %get3A_16 = vector.load %arg3[%get3A_14, %get3A_15] : memref<512x64xf32, #tpu.memory_space<vmem>>, vector<512x64xf32>
    %get3A_17 = arith.constant 0 : index
    %get3A_18 = arith.constant 0 : index
    %get3A_19 = vector.load %arg2[%get3A_17, %get3A_18] : memref<512x1xf32, #tpu.memory_space<vmem>>, vector<512x1xf32>
    %mul3A = arith.mulf %convert_element_type3A_4, %get3A_19 : vector<512x1xf32>
    %mul3A_20 = vector.broadcast %mul3A : vector<512x1xf32> to vector<512x64xf32>
    %mul3A_21 = arith.mulf %get3A_16, %mul3A_20 : vector<512x64xf32>
    %swap3A = arith.constant 0 : index
    %swap3A_22 = arith.constant 0 : index
    %swap3A_23 = vector.load %arg7[%swap3A, %swap3A_22] : memref<512x64xf32, #tpu.memory_space<vmem>>, vector<512x64xf32>
    tpu.vector_store %arg7[%swap3A, %swap3A_22], %mul3A_21 {strides = array<i32>} : memref<512x64xf32, #tpu.memory_space<vmem>>, vector<512x64xf32>,
    %get3A_24 = arith.constant 0 : index
    %get3A_25 = arith.constant 0 : index
    %get3A_26 = vector.load %arg5[%get3A_24, %get3A_25] : memref<512x64xf32, #tpu.memory_space<vmem>>, vector<512x64xf32>
    %get3A_27 = arith.constant 0 : index
    %get3A_28 = arith.constant 0 : index
    %get3A_29 = vector.load %arg6[%get3A_27, %get3A_28] : memref<512x1xf32, #tpu.memory_space<vmem>>, vector<512x1xf32>
    %mul3A_30 = arith.mulf %convert_element_type3A_13, %get3A_29 : vector<512x1xf32>
    %mul3A_31 = vector.broadcast %mul3A_30 : vector<512x1xf32> to vector<512x64xf32>
    %mul3A_32 = arith.mulf %get3A_26, %mul3A_31 : vector<512x64xf32>
    %swap3A_33 = arith.constant 0 : index
    %swap3A_34 = arith.constant 0 : index
    %swap3A_35 = vector.load %arg8[%swap3A_33, %swap3A_34] : memref<512x64xf32, #tpu.memory_space<vmem>>, vector<512x64xf32>
    tpu.vector_store %arg8[%swap3A_33, %swap3A_34], %mul3A_32 {strides = array<i32>} : memref<512x64xf32, #tpu.memory_space<vmem>>, vector<512x64xf32>,
    return
  }
  func.func @transform_0(%arg0: i32) -> (i32, i32) {
    %c0_i32 = arith.constant 0 : i32
    %c0_i32_0 = arith.constant 0 : i32
    return %arg0, %c0_i32 : i32, i32
  }
  func.func @transform_1(%arg0: i32) -> (i32, i32) {
    %c0_i32 = arith.constant 0 : i32
    %c0_i32_0 = arith.constant 0 : i32
    return %arg0, %c0_i32 : i32, i32
  }
  func.func @transform_2(%arg0: i32) -> (i32, i32) {
    %c0_i32 = arith.constant 0 : i32
    %c0_i32_0 = arith.constant 0 : i32
    return %arg0, %c0_i32 : i32, i32
  }
  func.func @transform_3(%arg0: i32) -> (i32, i32) {
    %c0_i32 = arith.constant 0 : i32
    %c0_i32_0 = arith.constant 0 : i32
    return %arg0, %c0_i32 : i32, i32
  }
  func.func @transform_4(%arg0: i32) -> (i32, i32) {
    %c0_i32 = arith.constant 0 : i32
    %c0_i32_0 = arith.constant 0 : i32
    return %arg0, %c0_i32 : i32, i32
  }
  func.func @transform_5(%arg0: i32) -> (i32, i32) {
    %c0_i32 = arith.constant 0 : i32
    %c0_i32_0 = arith.constant 0 : i32
    return %arg0, %c0_i32 : i32, i32
  }
  func.func @transform_6(%arg0: i32) -> (i32, i32) {
    %c0_i32 = arith.constant 0 : i32
    %c0_i32_0 = arith.constant 0 : i32
    return %arg0, %c0_i32 : i32, i32
  }
  func.func @transform_7(%arg0: i32) -> (i32, i32) {
    %c0_i32 = arith.constant 0 : i32
    %c0_i32_0 = arith.constant 0 : i32
    return %arg0, %c0_i32 : i32, i32
  }
}

module attributes {stable_mosaic.version = 14 : i64} {
  func.func @_recon_body(%arg0: i32, %arg1: memref<256x4096xbf16, #tpu.memory_space<vmem>>, %arg2: memref<256x1xi32, #tpu.memory_space<vmem>>, %arg3: memref<1x4096xi32, #tpu.memory_space<vmem>>, %arg4: memref<256x1xf32, #tpu.memory_space<vmem>>, %arg5: memref<1x4096xf32, #tpu.memory_space<vmem>>, %arg6: memref<256x4096xf32, #tpu.memory_space<vmem>>, %arg7: memref<256x4096xf32, #tpu.memory_space<vmem>>) attributes {dimension_semantics = [#tpu.dimension_semantics<arbitrary>], iteration_bounds = array<i64: 16>, scalar_prefetch = 0 : i64, scratch_operands = 0 : i64, tpu.core_type = #tpu.core_type<tc>, window_params = [{transform_indices = @transform_0, window_bounds = array<i64: 256, 4096>}, {transform_indices = @transform_1, window_bounds = array<i64: 256, 1>}, {pipeline_mode = #tpu.pipeline_mode<synchronous>, transform_indices = @transform_2, window_bounds = array<i64: 1, 4096>}, {transform_indices = @transform_3, window_bounds = array<i64: 256, 1>}, {pipeline_mode = #tpu.pipeline_mode<synchronous>, transform_indices = @transform_4, window_bounds = array<i64: 1, 4096>}, {transform_indices = @transform_5, window_bounds = array<i64: 256, 4096>}, {transform_indices = @transform_6, window_bounds = array<i64: 256, 4096>}]} {
    %get3A = arith.constant 0 : index
    %get3A_0 = arith.constant 0 : index
    %get3A_1 = vector.load %arg1[%get3A, %get3A_0] : memref<256x4096xbf16, #tpu.memory_space<vmem>>, vector<256x4096xbf16>
    %convert_element_type3A = arith.extf %get3A_1 : vector<256x4096xbf16> to vector<256x4096xf32>
    %get3A_2 = arith.constant 0 : index
    %get3A_3 = arith.constant 0 : index
    %get3A_4 = vector.load %arg2[%get3A_2, %get3A_3] : memref<256x1xi32, #tpu.memory_space<vmem>>, vector<256x1xi32>
    %lt3A = arith.constant 2048 : i32
    %lt3A_5 = vector.broadcast %lt3A : i32 to vector<256x1xi32>
    %lt3A_6 = arith.cmpi slt, %get3A_4, %lt3A_5 : vector<256x1xi32>
    %convert_element_type3A_7 = arith.extui %lt3A_6 : vector<256x1xi1> to vector<256x1xi32>
    %convert_element_type3A_8 = arith.sitofp %convert_element_type3A_7 : vector<256x1xi32> to vector<256x1xf32>
    %get3A_9 = arith.constant 0 : index
    %get3A_10 = arith.constant 0 : index
    %get3A_11 = vector.load %arg3[%get3A_9, %get3A_10] : memref<1x4096xi32, #tpu.memory_space<vmem>>, vector<1x4096xi32>
    %lt3A_12 = arith.constant 2048 : i32
    %lt3A_13 = vector.broadcast %lt3A_12 : i32 to vector<1x4096xi32>
    %lt3A_14 = arith.cmpi slt, %get3A_11, %lt3A_13 : vector<1x4096xi32>
    %convert_element_type3A_15 = arith.extui %lt3A_14 : vector<1x4096xi1> to vector<1x4096xi32>
    %convert_element_type3A_16 = arith.sitofp %convert_element_type3A_15 : vector<1x4096xi32> to vector<1x4096xf32>
    %get3A_17 = arith.constant 0 : index
    %get3A_18 = arith.constant 0 : index
    %get3A_19 = vector.load %arg4[%get3A_17, %get3A_18] : memref<256x1xf32, #tpu.memory_space<vmem>>, vector<256x1xf32>
    %get3A_20 = arith.constant 0 : index
    %get3A_21 = arith.constant 0 : index
    %get3A_22 = vector.load %arg5[%get3A_20, %get3A_21] : memref<1x4096xf32, #tpu.memory_space<vmem>>, vector<1x4096xf32>
    %gt3A = arith.constant 0.000000e+00 : f32
    %gt3A_23 = vector.broadcast %gt3A : f32 to vector<256x1xf32>
    %gt3A_24 = arith.cmpf ogt, %get3A_19, %gt3A_23 : vector<256x1xf32>
    %le3A = arith.constant 1.024000e+03 : f32
    %le3A_25 = vector.broadcast %le3A : f32 to vector<256x1xf32>
    %le3A_26 = arith.cmpf ole, %get3A_19, %le3A_25 : vector<256x1xf32>
    %and3A = arith.andi %gt3A_24, %le3A_26 : vector<256x1xi1>
    %convert_element_type3A_27 = arith.extui %and3A : vector<256x1xi1> to vector<256x1xi32>
    %convert_element_type3A_28 = arith.sitofp %convert_element_type3A_27 : vector<256x1xi32> to vector<256x1xf32>
    %gt3A_29 = arith.constant 0.000000e+00 : f32
    %gt3A_30 = vector.broadcast %gt3A_29 : f32 to vector<1x4096xf32>
    %gt3A_31 = arith.cmpf ogt, %get3A_22, %gt3A_30 : vector<1x4096xf32>
    %le3A_32 = arith.constant 1.024000e+03 : f32
    %le3A_33 = vector.broadcast %le3A_32 : f32 to vector<1x4096xf32>
    %le3A_34 = arith.cmpf ole, %get3A_22, %le3A_33 : vector<1x4096xf32>
    %and3A_35 = arith.andi %gt3A_31, %le3A_34 : vector<1x4096xi1>
    %convert_element_type3A_36 = arith.extui %and3A_35 : vector<1x4096xi1> to vector<1x4096xi32>
    %convert_element_type3A_37 = arith.sitofp %convert_element_type3A_36 : vector<1x4096xi32> to vector<1x4096xf32>
    %mul3A = vector.broadcast %convert_element_type3A_8 : vector<256x1xf32> to vector<256x4096xf32>
    %mul3A_38 = arith.mulf %convert_element_type3A, %mul3A : vector<256x4096xf32>
    %mul3A_39 = vector.broadcast %convert_element_type3A_16 : vector<1x4096xf32> to vector<256x4096xf32>
    %mul3A_40 = arith.mulf %mul3A_38, %mul3A_39 : vector<256x4096xf32>
    %swap3A = arith.constant 0 : index
    %swap3A_41 = arith.constant 0 : index
    %swap3A_42 = vector.load %arg6[%swap3A, %swap3A_41] : memref<256x4096xf32, #tpu.memory_space<vmem>>, vector<256x4096xf32>
    tpu.vector_store %arg6[%swap3A, %swap3A_41], %mul3A_40 {strides = array<i32>} : memref<256x4096xf32, #tpu.memory_space<vmem>>, vector<256x4096xf32>,
    %mul3A_43 = vector.broadcast %convert_element_type3A_28 : vector<256x1xf32> to vector<256x4096xf32>
    %mul3A_44 = arith.mulf %convert_element_type3A, %mul3A_43 : vector<256x4096xf32>
    %mul3A_45 = vector.broadcast %convert_element_type3A_37 : vector<1x4096xf32> to vector<256x4096xf32>
    %mul3A_46 = arith.mulf %mul3A_44, %mul3A_45 : vector<256x4096xf32>
    %swap3A_47 = arith.constant 0 : index
    %swap3A_48 = arith.constant 0 : index
    %swap3A_49 = vector.load %arg7[%swap3A_47, %swap3A_48] : memref<256x4096xf32, #tpu.memory_space<vmem>>, vector<256x4096xf32>
    tpu.vector_store %arg7[%swap3A_47, %swap3A_48], %mul3A_46 {strides = array<i32>} : memref<256x4096xf32, #tpu.memory_space<vmem>>, vector<256x4096xf32>,
    return
  }
  func.func @transform_0(%arg0: i32) -> (i32, i32) {
    %c0_i32 = arith.constant 0 : i32
    %c0_i32_0 = arith.constant 0 : i32
    return %arg0, %c0_i32 : i32, i32
  }
  func.func @transform_1(%arg0: i32) -> (i32, i32) {
    %c0_i32 = arith.constant 0 : i32
    %c0_i32_0 = arith.constant 0 : i32
    return %arg0, %c0_i32 : i32, i32
  }
  func.func @transform_2(%arg0: i32) -> (i32, i32) {
    %c0_i32 = arith.constant 0 : i32
    %c0_i32_0 = arith.constant 0 : i32
    %c0_i32_1 = arith.constant 0 : i32
    return %c0_i32, %c0_i32_0 : i32, i32
  }
  func.func @transform_3(%arg0: i32) -> (i32, i32) {
    %c0_i32 = arith.constant 0 : i32
    %c0_i32_0 = arith.constant 0 : i32
    return %arg0, %c0_i32 : i32, i32
  }
  func.func @transform_4(%arg0: i32) -> (i32, i32) {
    %c0_i32 = arith.constant 0 : i32
    %c0_i32_0 = arith.constant 0 : i32
    %c0_i32_1 = arith.constant 0 : i32
    return %c0_i32, %c0_i32_0 : i32, i32
  }
  func.func @transform_5(%arg0: i32) -> (i32, i32) {
    %c0_i32 = arith.constant 0 : i32
    %c0_i32_0 = arith.constant 0 : i32
    return %arg0, %c0_i32 : i32, i32
  }
  func.func @transform_6(%arg0: i32) -> (i32, i32) {
    %c0_i32 = arith.constant 0 : i32
    %c0_i32_0 = arith.constant 0 : i32
    return %arg0, %c0_i32 : i32, i32
  }
}

module attributes {stable_mosaic.version = 14 : i64} {
  func.func @_poolcol_body(%arg0: i32, %arg1: i32, %arg2: memref<2048x1xi32, #tpu.memory_space<vmem>>, %arg3: memref<256x2048xf32, #tpu.memory_space<vmem>>, %arg4: memref<256x512xbf16, #tpu.memory_space<vmem>>) attributes {dimension_semantics = [#tpu.dimension_semantics<arbitrary>, #tpu.dimension_semantics<arbitrary>], iteration_bounds = array<i64: 4, 2>, scalar_prefetch = 0 : i64, scratch_operands = 0 : i64, tpu.core_type = #tpu.core_type<tc>, window_params = [{pipeline_mode = #tpu.pipeline_mode<synchronous>, transform_indices = @transform_0, window_bounds = array<i64: 2048, 1>}, {transform_indices = @transform_1, window_bounds = array<i64: 256, 2048>}, {transform_indices = @transform_2, window_bounds = array<i64: 256, 512>}]} {
    %mul3A = arith.constant 512 : i32
    %mul3A_0 = arith.muli %arg1, %mul3A : i32
    %iota3A = tpu.iota {dimensions = array<i32: 1>} : vector<2048x512xi32>
    %add3A = vector.broadcast %mul3A_0 : i32 to vector<2048x512xi32>
    %add3A_1 = arith.addi %add3A, %iota3A : vector<2048x512xi32>
    %get3A = arith.constant 0 : index
    %get3A_2 = arith.constant 0 : index
    %get3A_3 = vector.load %arg2[%get3A, %get3A_2] : memref<2048x1xi32, #tpu.memory_space<vmem>>, vector<2048x1xi32>
    %eq3A = vector.broadcast %get3A_3 : vector<2048x1xi32> to vector<2048x512xi32>
    %eq3A_4 = arith.cmpi eq, %eq3A, %add3A_1 : vector<2048x512xi32>
    %convert_element_type3A = arith.extui %eq3A_4 : vector<2048x512xi1> to vector<2048x512xi32>
    %convert_element_type3A_5 = arith.sitofp %convert_element_type3A : vector<2048x512xi32> to vector<2048x512xf32>
    %convert_element_type3A_6 = arith.truncf %convert_element_type3A_5 : vector<2048x512xf32> to vector<2048x512xbf16>
    %get3A_7 = arith.constant 0 : index
    %get3A_8 = arith.constant 0 : index
    %get3A_9 = vector.load %arg3[%get3A_7, %get3A_8] : memref<256x2048xf32, #tpu.memory_space<vmem>>, vector<256x2048xf32>
    %convert_element_type3A_10 = arith.truncf %get3A_9 : vector<256x2048xf32> to vector<256x2048xbf16>
    %dot_general3A = arith.constant dense<0.000000e+00> : vector<256x512xf32>
    %dot_general3A_11 = tpu.matmul %convert_element_type3A_10, %convert_element_type3A_6, %dot_general3A {dimension_numbers = #tpu.dot_dimension_numbers<[1], [0], [0], [1], [0, 0, 1, 1], [], []>, transpose_lhs_hint = false} : vector<256x2048xbf16>, vector<2048x512xbf16>, vector<256x512xf32> -> vector<256x512xf32>
    %convert_element_type3A_12 = arith.truncf %dot_general3A_11 : vector<256x512xf32> to vector<256x512xbf16>
    %swap3A = arith.constant 0 : index
    %swap3A_13 = arith.constant 0 : index
    %swap3A_14 = vector.load %arg4[%swap3A, %swap3A_13] : memref<256x512xbf16, #tpu.memory_space<vmem>>, vector<256x512xbf16>
    tpu.vector_store %arg4[%swap3A, %swap3A_13], %convert_element_type3A_12 {strides = array<i32>} : memref<256x512xbf16, #tpu.memory_space<vmem>>, vector<256x512xbf16>,
    return
  }
  func.func @transform_0(%arg0: i32, %arg1: i32) -> (i32, i32) {
    %c0_i32 = arith.constant 0 : i32
    %c0_i32_0 = arith.constant 0 : i32
    %c0_i32_1 = arith.constant 0 : i32
    return %c0_i32, %c0_i32_0 : i32, i32
  }
  func.func @transform_1(%arg0: i32, %arg1: i32) -> (i32, i32) {
    %c0_i32 = arith.constant 0 : i32
    %c0_i32_0 = arith.constant 0 : i32
    return %arg0, %c0_i32 : i32, i32
  }
  func.func @transform_2(%arg0: i32, %arg1: i32) -> (i32, i32) {
    %c0_i32 = arith.constant 0 : i32
    return %arg0, %arg1 : i32, i32
  }
}

module attributes {stable_mosaic.version = 14 : i64} {
  func.func @_gat_online_body(%arg0: i32, %arg1: i32, %arg2: memref<1024x1024xbf16, #tpu.memory_space<vmem>>, %arg3: memref<1024x1xf32, #tpu.memory_space<vmem>>, %arg4: memref<1x1024xf32, #tpu.memory_space<vmem>>, %arg5: memref<1024x64xf32, #tpu.memory_space<vmem>>, %arg6: memref<1024x64xf32, #tpu.memory_space<vmem>>, %arg7: memref<1024x1xf32, #tpu.memory_space<vmem>>, %arg8: memref<1024x1xf32, #tpu.memory_space<vmem>>) attributes {dimension_semantics = [#tpu.dimension_semantics<parallel>, #tpu.dimension_semantics<arbitrary>], iteration_bounds = array<i64: 1, 1>, scalar_prefetch = 0 : i64, scratch_operands = 2 : i64, tpu.core_type = #tpu.core_type<tc>, window_params = [{transform_indices = @transform_0, window_bounds = array<i64: 1024, 1024>}, {transform_indices = @transform_1, window_bounds = array<i64: 1024, 1>}, {transform_indices = @transform_2, window_bounds = array<i64: 1, 1024>}, {transform_indices = @transform_3, window_bounds = array<i64: 1024, 64>}, {transform_indices = @transform_4, window_bounds = array<i64: 1024, 64>}]} {
    %eq3A = arith.constant 0 : i32
    %eq3A_0 = arith.cmpi eq, %arg1, %eq3A : i32
    %convert_element_type3A = arith.extui %eq3A_0 : i1 to i32
    %cond3A = arith.constant 0 : i32
    %cond3A_1 = arith.cmpi ne, %convert_element_type3A, %cond3A : i32
    scf.if %cond3A_1 {
      %broadcast_in_dim3A_62 = arith.constant 0xFF800000 : f32
      %broadcast_in_dim3A_63 = vector.broadcast %broadcast_in_dim3A_62 : f32 to vector<1024x1xf32>
      %swap3A_64 = arith.constant 0 : index
      %swap3A_65 = arith.constant 0 : index
      %swap3A_66 = vector.load %arg7[%swap3A_64, %swap3A_65] : memref<1024x1xf32, #tpu.memory_space<vmem>>, vector<1024x1xf32>
      tpu.vector_store %arg7[%swap3A_64, %swap3A_65], %broadcast_in_dim3A_63 {strides = array<i32>} : memref<1024x1xf32, #tpu.memory_space<vmem>>, vector<1024x1xf32>,
      %broadcast_in_dim3A_67 = arith.constant 0.000000e+00 : f32
      %broadcast_in_dim3A_68 = vector.broadcast %broadcast_in_dim3A_67 : f32 to vector<1024x1xf32>
      %swap3A_69 = arith.constant 0 : index
      %swap3A_70 = arith.constant 0 : index
      %swap3A_71 = vector.load %arg8[%swap3A_69, %swap3A_70] : memref<1024x1xf32, #tpu.memory_space<vmem>>, vector<1024x1xf32>
      tpu.vector_store %arg8[%swap3A_69, %swap3A_70], %broadcast_in_dim3A_68 {strides = array<i32>} : memref<1024x1xf32, #tpu.memory_space<vmem>>, vector<1024x1xf32>,
      %broadcast_in_dim3A_72 = arith.constant 0.000000e+00 : f32
      %broadcast_in_dim3A_73 = vector.broadcast %broadcast_in_dim3A_72 : f32 to vector<1024x64xf32>
      %swap3A_74 = arith.constant 0 : index
      %swap3A_75 = arith.constant 0 : index
      %swap3A_76 = vector.load %arg6[%swap3A_74, %swap3A_75] : memref<1024x64xf32, #tpu.memory_space<vmem>>, vector<1024x64xf32>
      tpu.vector_store %arg6[%swap3A_74, %swap3A_75], %broadcast_in_dim3A_73 {strides = array<i32>} : memref<1024x64xf32, #tpu.memory_space<vmem>>, vector<1024x64xf32>,
    } else {
    }
    %get3A = arith.constant 0 : index
    %get3A_2 = arith.constant 0 : index
    %get3A_3 = vector.load %arg3[%get3A, %get3A_2] : memref<1024x1xf32, #tpu.memory_space<vmem>>, vector<1024x1xf32>
    %get3A_4 = arith.constant 0 : index
    %get3A_5 = arith.constant 0 : index
    %get3A_6 = vector.load %arg4[%get3A_4, %get3A_5] : memref<1x1024xf32, #tpu.memory_space<vmem>>, vector<1x1024xf32>
    %add3A = vector.broadcast %get3A_3 : vector<1024x1xf32> to vector<1024x1024xf32>
    %add3A_7 = vector.broadcast %get3A_6 : vector<1x1024xf32> to vector<1024x1024xf32>
    %add3A_8 = arith.addf %add3A, %add3A_7 : vector<1024x1024xf32>
    %ge3A = arith.constant 0.000000e+00 : f32
    %ge3A_9 = vector.broadcast %ge3A : f32 to vector<1024x1024xf32>
    %ge3A_10 = arith.cmpf oge, %add3A_8, %ge3A_9 : vector<1024x1024xf32>
    %mul3A = arith.constant 2.000000e-01 : f32
    %mul3A_11 = vector.broadcast %mul3A : f32 to vector<1024x1024xf32>
    %mul3A_12 = arith.mulf %mul3A_11, %add3A_8 : vector<1024x1024xf32>
    %select_n3A = arith.select %ge3A_10, %add3A_8, %mul3A_12 : vector<1024x1024xi1>, vector<1024x1024xf32>
    %get3A_13 = arith.constant 0 : index
    %get3A_14 = arith.constant 0 : index
    %get3A_15 = vector.load %arg2[%get3A_13, %get3A_14] : memref<1024x1024xbf16, #tpu.memory_space<vmem>>, vector<1024x1024xbf16>
    %gt3A = arith.constant 0.000000e+00 : bf16
    %gt3A_16 = vector.broadcast %gt3A : bf16 to vector<1024x1024xbf16>
    %gt3A_17 = arith.cmpf ogt, %get3A_15, %gt3A_16 : vector<1024x1024xbf16>
    %jit3A = arith.constant -9.000000e+15 : f32
    %broadcast_in_dim3A = vector.broadcast %jit3A : f32 to vector<1024x1024xf32>
    %select_n3A_18 = arith.select %gt3A_17, %select_n3A, %broadcast_in_dim3A : vector<1024x1024xi1>, vector<1024x1024xf32>
    %reduce_max3A = arith.constant dense<0xFF800000> : vector<1024xf32>
    %reduce_max3A_19 = vector.multi_reduction <maximumf>, %select_n3A_18, %reduce_max3A [1] : vector<1024x1024xf32> to vector<1024xf32>
    %broadcast_in_dim3A_20 = vector.shape_cast %reduce_max3A_19 : vector<1024xf32> to vector<1024x1xf32>
    %get3A_21 = arith.constant 0 : index
    %get3A_22 = arith.constant 0 : index
    %get3A_23 = vector.load %arg7[%get3A_21, %get3A_22] : memref<1024x1xf32, #tpu.memory_space<vmem>>, vector<1024x1xf32>
    %max3A = arith.maximumf %get3A_23, %broadcast_in_dim3A_20 : vector<1024x1xf32>
    %eq3A_24 = arith.cmpf oeq, %get3A_23, %max3A : vector<1024x1xf32>
    %broadcast_in_dim3A_25 = arith.constant 0.000000e+00 : f32
    %broadcast_in_dim3A_26 = vector.broadcast %broadcast_in_dim3A_25 : f32 to vector<1024x1xf32>
    %sub3A = arith.subf %get3A_23, %max3A : vector<1024x1xf32>
    %select_n3A_27 = arith.select %eq3A_24, %broadcast_in_dim3A_26, %sub3A : vector<1024x1xi1>, vector<1024x1xf32>
    %sub3A_28 = vector.broadcast %max3A : vector<1024x1xf32> to vector<1024x1024xf32>
    %sub3A_29 = arith.subf %select_n3A_18, %sub3A_28 : vector<1024x1024xf32>
    %exp3A = math.exp %sub3A_29 : vector<1024x1024xf32>
    %reduce_sum3A = arith.constant dense<0.000000e+00> : vector<1024xf32>
    %reduce_sum3A_30 = vector.multi_reduction <add>, %exp3A, %reduce_sum3A [1] : vector<1024x1024xf32> to vector<1024xf32>
    %broadcast_in_dim3A_31 = vector.shape_cast %reduce_sum3A_30 : vector<1024xf32> to vector<1024x1xf32>
    %get3A_32 = arith.constant 0 : index
    %get3A_33 = arith.constant 0 : index
    %get3A_34 = vector.load %arg8[%get3A_32, %get3A_33] : memref<1024x1xf32, #tpu.memory_space<vmem>>, vector<1024x1xf32>
    %exp3A_35 = math.exp %select_n3A_27 : vector<1024x1xf32>
    %mul3A_36 = arith.mulf %exp3A_35, %get3A_34 : vector<1024x1xf32>
    %add3A_37 = arith.addf %mul3A_36, %broadcast_in_dim3A_31 : vector<1024x1xf32>
    %exp3A_38 = math.exp %select_n3A_27 : vector<1024x1xf32>
    %mul3A_39 = arith.mulf %exp3A_38, %get3A_34 : vector<1024x1xf32>
    %get3A_40 = arith.constant 0 : index
    %get3A_41 = arith.constant 0 : index
    %get3A_42 = vector.load %arg6[%get3A_40, %get3A_41] : memref<1024x64xf32, #tpu.memory_space<vmem>>, vector<1024x64xf32>
    %mul3A_43 = vector.broadcast %mul3A_39 : vector<1024x1xf32> to vector<1024x64xf32>
    %mul3A_44 = arith.mulf %mul3A_43, %get3A_42 : vector<1024x64xf32>
    %get3A_45 = arith.constant 0 : index
    %get3A_46 = arith.constant 0 : index
    %get3A_47 = vector.load %arg5[%get3A_45, %get3A_46] : memref<1024x64xf32, #tpu.memory_space<vmem>>, vector<1024x64xf32>
    %dot_general3A = arith.constant dense<0.000000e+00> : vector<1024x64xf32>
    %dot_general3A_48 = tpu.matmul %exp3A, %get3A_47, %dot_general3A {dimension_numbers = #tpu.dot_dimension_numbers<[1], [0], [0], [1], [0, 0, 1, 1], [], []>, transpose_lhs_hint = false} : vector<1024x1024xf32>, vector<1024x64xf32>, vector<1024x64xf32> -> vector<1024x64xf32>
    %add3A_49 = arith.addf %dot_general3A_48, %mul3A_44 : vector<1024x64xf32>
    %div3A = arith.constant 1.000000e+00 : f32
    %div3A_50 = vector.broadcast %div3A : f32 to vector<1024x1xf32>
    %div3A_51 = arith.divf %div3A_50, %add3A_37 : vector<1024x1xf32>
    %mul3A_52 = vector.broadcast %div3A_51 : vector<1024x1xf32> to vector<1024x64xf32>
    %mul3A_53 = arith.mulf %add3A_49, %mul3A_52 : vector<1024x64xf32>
    %swap3A = arith.constant 0 : index
    %swap3A_54 = arith.constant 0 : index
    %swap3A_55 = vector.load %arg7[%swap3A, %swap3A_54] : memref<1024x1xf32, #tpu.memory_space<vmem>>, vector<1024x1xf32>
    tpu.vector_store %arg7[%swap3A, %swap3A_54], %max3A {strides = array<i32>} : memref<1024x1xf32, #tpu.memory_space<vmem>>, vector<1024x1xf32>,
    %swap3A_56 = arith.constant 0 : index
    %swap3A_57 = arith.constant 0 : index
    %swap3A_58 = vector.load %arg8[%swap3A_56, %swap3A_57] : memref<1024x1xf32, #tpu.memory_space<vmem>>, vector<1024x1xf32>
    tpu.vector_store %arg8[%swap3A_56, %swap3A_57], %add3A_37 {strides = array<i32>} : memref<1024x1xf32, #tpu.memory_space<vmem>>, vector<1024x1xf32>,
    %swap3A_59 = arith.constant 0 : index
    %swap3A_60 = arith.constant 0 : index
    %swap3A_61 = vector.load %arg6[%swap3A_59, %swap3A_60] : memref<1024x64xf32, #tpu.memory_space<vmem>>, vector<1024x64xf32>
    tpu.vector_store %arg6[%swap3A_59, %swap3A_60], %mul3A_53 {strides = array<i32>} : memref<1024x64xf32, #tpu.memory_space<vmem>>, vector<1024x64xf32>,
    return
  }
  func.func @transform_0(%arg0: i32, %arg1: i32) -> (i32, i32) {
    %c0_i32 = arith.constant 0 : i32
    return %arg0, %arg1 : i32, i32
  }
  func.func @transform_1(%arg0: i32, %arg1: i32) -> (i32, i32) {
    %c0_i32 = arith.constant 0 : i32
    %c0_i32_0 = arith.constant 0 : i32
    return %arg0, %c0_i32 : i32, i32
  }
  func.func @transform_2(%arg0: i32, %arg1: i32) -> (i32, i32) {
    %c0_i32 = arith.constant 0 : i32
    %c0_i32_0 = arith.constant 0 : i32
    return %c0_i32, %arg1 : i32, i32
  }
  func.func @transform_3(%arg0: i32, %arg1: i32) -> (i32, i32) {
    %c0_i32 = arith.constant 0 : i32
    %c0_i32_0 = arith.constant 0 : i32
    return %arg1, %c0_i32 : i32, i32
  }
  func.func @transform_4(%arg0: i32, %arg1: i32) -> (i32, i32) {
    %c0_i32 = arith.constant 0 : i32
    %c0_i32_0 = arith.constant 0 : i32
    return %arg0, %c0_i32 : i32, i32
  }
}

module attributes {stable_mosaic.version = 14 : i64} {
  func.func @_scat_body(%arg0: i32, %arg1: memref<256x1xi32, #tpu.memory_space<vmem>>, %arg2: memref<1024x64xf32, #tpu.memory_space<vmem>>, %arg3: memref<256x64xf32, #tpu.memory_space<vmem>>, %arg4: memref<256x64xf32, #tpu.memory_space<vmem>>, %arg5: memref<256x64xf32, #tpu.memory_space<vmem>>) attributes {dimension_semantics = [#tpu.dimension_semantics<arbitrary>], iteration_bounds = array<i64: 8>, scalar_prefetch = 0 : i64, scratch_operands = 0 : i64, tpu.core_type = #tpu.core_type<tc>, window_params = [{transform_indices = @transform_0, window_bounds = array<i64: 256, 1>}, {pipeline_mode = #tpu.pipeline_mode<synchronous>, transform_indices = @transform_1, window_bounds = array<i64: 1024, 64>}, {transform_indices = @transform_2, window_bounds = array<i64: 256, 64>}, {transform_indices = @transform_3, window_bounds = array<i64: 256, 64>}, {transform_indices = @transform_4, window_bounds = array<i64: 256, 64>}]} {
    %get3A = arith.constant 0 : index
    %get3A_0 = arith.constant 0 : index
    %get3A_1 = vector.load %arg1[%get3A, %get3A_0] : memref<256x1xi32, #tpu.memory_space<vmem>>, vector<256x1xi32>
    %iota3A = tpu.iota {dimensions = array<i32: 1>} : vector<256x1024xi32>
    %eq3A = vector.broadcast %get3A_1 : vector<256x1xi32> to vector<256x1024xi32>
    %eq3A_2 = arith.cmpi eq, %eq3A, %iota3A : vector<256x1024xi32>
    %convert_element_type3A = arith.extui %eq3A_2 : vector<256x1024xi1> to vector<256x1024xi32>
    %convert_element_type3A_3 = arith.sitofp %convert_element_type3A : vector<256x1024xi32> to vector<256x1024xf32>
    %get3A_4 = arith.constant 0 : index
    %get3A_5 = arith.constant 0 : index
    %get3A_6 = vector.load %arg2[%get3A_4, %get3A_5] : memref<1024x64xf32, #tpu.memory_space<vmem>>, vector<1024x64xf32>
    %dot_general3A = arith.constant dense<0.000000e+00> : vector<256x64xf32>
    %dot_general3A_7 = tpu.matmul %convert_element_type3A_3, %get3A_6, %dot_general3A {dimension_numbers = #tpu.dot_dimension_numbers<[1], [0], [0], [1], [0, 0, 1, 1], [], []>, precision = #tpu.contract_precision<fp32>, transpose_lhs_hint = false} : vector<256x1024xf32>, vector<1024x64xf32>, vector<256x64xf32> -> vector<256x64xf32>
    %swap3A = arith.constant 0 : index
    %swap3A_8 = arith.constant 0 : index
    %swap3A_9 = vector.load %arg4[%swap3A, %swap3A_8] : memref<256x64xf32, #tpu.memory_space<vmem>>, vector<256x64xf32>
    tpu.vector_store %arg4[%swap3A, %swap3A_8], %dot_general3A_7 {strides = array<i32>} : memref<256x64xf32, #tpu.memory_space<vmem>>, vector<256x64xf32>,
    %get3A_10 = arith.constant 0 : index
    %get3A_11 = arith.constant 0 : index
    %get3A_12 = vector.load %arg3[%get3A_10, %get3A_11] : memref<256x64xf32, #tpu.memory_space<vmem>>, vector<256x64xf32>
    %add3A = arith.addf %dot_general3A_7, %get3A_12 : vector<256x64xf32>
    %swap3A_13 = arith.constant 0 : index
    %swap3A_14 = arith.constant 0 : index
    %swap3A_15 = vector.load %arg5[%swap3A_13, %swap3A_14] : memref<256x64xf32, #tpu.memory_space<vmem>>, vector<256x64xf32>
    tpu.vector_store %arg5[%swap3A_13, %swap3A_14], %add3A {strides = array<i32>} : memref<256x64xf32, #tpu.memory_space<vmem>>, vector<256x64xf32>,
    return
  }
  func.func @transform_0(%arg0: i32) -> (i32, i32) {
    %c0_i32 = arith.constant 0 : i32
    %c0_i32_0 = arith.constant 0 : i32
    return %arg0, %c0_i32 : i32, i32
  }
  func.func @transform_1(%arg0: i32) -> (i32, i32) {
    %c0_i32 = arith.constant 0 : i32
    %c0_i32_0 = arith.constant 0 : i32
    %c0_i32_1 = arith.constant 0 : i32
    return %c0_i32, %c0_i32_0 : i32, i32
  }
  func.func @transform_2(%arg0: i32) -> (i32, i32) {
    %c0_i32 = arith.constant 0 : i32
    %c0_i32_0 = arith.constant 0 : i32
    return %arg0, %c0_i32 : i32, i32
  }
  func.func @transform_3(%arg0: i32) -> (i32, i32) {
    %c0_i32 = arith.constant 0 : i32
    %c0_i32_0 = arith.constant 0 : i32
    return %arg0, %c0_i32 : i32, i32
  }
  func.func @transform_4(%arg0: i32) -> (i32, i32) {
    %c0_i32 = arith.constant 0 : i32
    %c0_i32_0 = arith.constant 0 : i32
    return %arg0, %c0_i32 : i32, i32
  }
}

module attributes {stable_mosaic.version = 14 : i64} {
  func.func @_scat_body(%arg0: i32, %arg1: memref<256x1xi32, #tpu.memory_space<vmem>>, %arg2: memref<2048x64xf32, #tpu.memory_space<vmem>>, %arg3: memref<256x64xf32, #tpu.memory_space<vmem>>, %arg4: memref<256x64xf32, #tpu.memory_space<vmem>>, %arg5: memref<256x64xf32, #tpu.memory_space<vmem>>) attributes {dimension_semantics = [#tpu.dimension_semantics<arbitrary>], iteration_bounds = array<i64: 16>, scalar_prefetch = 0 : i64, scratch_operands = 0 : i64, tpu.core_type = #tpu.core_type<tc>, window_params = [{transform_indices = @transform_0, window_bounds = array<i64: 256, 1>}, {pipeline_mode = #tpu.pipeline_mode<synchronous>, transform_indices = @transform_1, window_bounds = array<i64: 2048, 64>}, {transform_indices = @transform_2, window_bounds = array<i64: 256, 64>}, {transform_indices = @transform_3, window_bounds = array<i64: 256, 64>}, {transform_indices = @transform_4, window_bounds = array<i64: 256, 64>}]} {
    %get3A = arith.constant 0 : index
    %get3A_0 = arith.constant 0 : index
    %get3A_1 = vector.load %arg1[%get3A, %get3A_0] : memref<256x1xi32, #tpu.memory_space<vmem>>, vector<256x1xi32>
    %iota3A = tpu.iota {dimensions = array<i32: 1>} : vector<256x2048xi32>
    %eq3A = vector.broadcast %get3A_1 : vector<256x1xi32> to vector<256x2048xi32>
    %eq3A_2 = arith.cmpi eq, %eq3A, %iota3A : vector<256x2048xi32>
    %convert_element_type3A = arith.extui %eq3A_2 : vector<256x2048xi1> to vector<256x2048xi32>
    %convert_element_type3A_3 = arith.sitofp %convert_element_type3A : vector<256x2048xi32> to vector<256x2048xf32>
    %get3A_4 = arith.constant 0 : index
    %get3A_5 = arith.constant 0 : index
    %get3A_6 = vector.load %arg2[%get3A_4, %get3A_5] : memref<2048x64xf32, #tpu.memory_space<vmem>>, vector<2048x64xf32>
    %dot_general3A = arith.constant dense<0.000000e+00> : vector<256x64xf32>
    %dot_general3A_7 = tpu.matmul %convert_element_type3A_3, %get3A_6, %dot_general3A {dimension_numbers = #tpu.dot_dimension_numbers<[1], [0], [0], [1], [0, 0, 1, 1], [], []>, precision = #tpu.contract_precision<fp32>, transpose_lhs_hint = false} : vector<256x2048xf32>, vector<2048x64xf32>, vector<256x64xf32> -> vector<256x64xf32>
    %swap3A = arith.constant 0 : index
    %swap3A_8 = arith.constant 0 : index
    %swap3A_9 = vector.load %arg4[%swap3A, %swap3A_8] : memref<256x64xf32, #tpu.memory_space<vmem>>, vector<256x64xf32>
    tpu.vector_store %arg4[%swap3A, %swap3A_8], %dot_general3A_7 {strides = array<i32>} : memref<256x64xf32, #tpu.memory_space<vmem>>, vector<256x64xf32>,
    %get3A_10 = arith.constant 0 : index
    %get3A_11 = arith.constant 0 : index
    %get3A_12 = vector.load %arg3[%get3A_10, %get3A_11] : memref<256x64xf32, #tpu.memory_space<vmem>>, vector<256x64xf32>
    %add3A = arith.addf %dot_general3A_7, %get3A_12 : vector<256x64xf32>
    %swap3A_13 = arith.constant 0 : index
    %swap3A_14 = arith.constant 0 : index
    %swap3A_15 = vector.load %arg5[%swap3A_13, %swap3A_14] : memref<256x64xf32, #tpu.memory_space<vmem>>, vector<256x64xf32>
    tpu.vector_store %arg5[%swap3A_13, %swap3A_14], %add3A {strides = array<i32>} : memref<256x64xf32, #tpu.memory_space<vmem>>, vector<256x64xf32>,
    return
  }
  func.func @transform_0(%arg0: i32) -> (i32, i32) {
    %c0_i32 = arith.constant 0 : i32
    %c0_i32_0 = arith.constant 0 : i32
    return %arg0, %c0_i32 : i32, i32
  }
  func.func @transform_1(%arg0: i32) -> (i32, i32) {
    %c0_i32 = arith.constant 0 : i32
    %c0_i32_0 = arith.constant 0 : i32
    %c0_i32_1 = arith.constant 0 : i32
    return %c0_i32, %c0_i32_0 : i32, i32
  }
  func.func @transform_2(%arg0: i32) -> (i32, i32) {
    %c0_i32 = arith.constant 0 : i32
    %c0_i32_0 = arith.constant 0 : i32
    return %arg0, %c0_i32 : i32, i32
  }
  func.func @transform_3(%arg0: i32) -> (i32, i32) {
    %c0_i32 = arith.constant 0 : i32
    %c0_i32_0 = arith.constant 0 : i32
    return %arg0, %c0_i32 : i32, i32
  }
  func.func @transform_4(%arg0: i32) -> (i32, i32) {
    %c0_i32 = arith.constant 0 : i32
    %c0_i32_0 = arith.constant 0 : i32
    return %arg0, %c0_i32 : i32, i32
  }
}

module attributes {stable_mosaic.version = 14 : i64} {
  func.func @_gat_att_body(%arg0: i32, %arg1: memref<256x4096xbf16, #tpu.memory_space<vmem>>, %arg2: memref<256x1xf32, #tpu.memory_space<vmem>>, %arg3: memref<1x4096xf32, #tpu.memory_space<vmem>>, %arg4: memref<4096x64xf32, #tpu.memory_space<vmem>>, %arg5: memref<256x64xf32, #tpu.memory_space<vmem>>, %arg6: memref<256x4096xf32, #tpu.memory_space<vmem>>) attributes {dimension_semantics = [#tpu.dimension_semantics<arbitrary>], iteration_bounds = array<i64: 16>, scalar_prefetch = 0 : i64, scratch_operands = 0 : i64, tpu.core_type = #tpu.core_type<tc>, window_params = [{transform_indices = @transform_0, window_bounds = array<i64: 256, 4096>}, {transform_indices = @transform_1, window_bounds = array<i64: 256, 1>}, {pipeline_mode = #tpu.pipeline_mode<synchronous>, transform_indices = @transform_2, window_bounds = array<i64: 1, 4096>}, {pipeline_mode = #tpu.pipeline_mode<synchronous>, transform_indices = @transform_3, window_bounds = array<i64: 4096, 64>}, {transform_indices = @transform_4, window_bounds = array<i64: 256, 64>}, {transform_indices = @transform_5, window_bounds = array<i64: 256, 4096>}]} {
    %get3A = arith.constant 0 : index
    %get3A_0 = arith.constant 0 : index
    %get3A_1 = vector.load %arg2[%get3A, %get3A_0] : memref<256x1xf32, #tpu.memory_space<vmem>>, vector<256x1xf32>
    %get3A_2 = arith.constant 0 : index
    %get3A_3 = arith.constant 0 : index
    %get3A_4 = vector.load %arg3[%get3A_2, %get3A_3] : memref<1x4096xf32, #tpu.memory_space<vmem>>, vector<1x4096xf32>
    %add3A = vector.broadcast %get3A_1 : vector<256x1xf32> to vector<256x4096xf32>
    %add3A_5 = vector.broadcast %get3A_4 : vector<1x4096xf32> to vector<256x4096xf32>
    %add3A_6 = arith.addf %add3A, %add3A_5 : vector<256x4096xf32>
    %ge3A = arith.constant 0.000000e+00 : f32
    %ge3A_7 = vector.broadcast %ge3A : f32 to vector<256x4096xf32>
    %ge3A_8 = arith.cmpf oge, %add3A_6, %ge3A_7 : vector<256x4096xf32>
    %mul3A = arith.constant 2.000000e-01 : f32
    %mul3A_9 = vector.broadcast %mul3A : f32 to vector<256x4096xf32>
    %mul3A_10 = arith.mulf %mul3A_9, %add3A_6 : vector<256x4096xf32>
    %select_n3A = arith.select %ge3A_8, %add3A_6, %mul3A_10 : vector<256x4096xi1>, vector<256x4096xf32>
    %get3A_11 = arith.constant 0 : index
    %get3A_12 = arith.constant 0 : index
    %get3A_13 = vector.load %arg1[%get3A_11, %get3A_12] : memref<256x4096xbf16, #tpu.memory_space<vmem>>, vector<256x4096xbf16>
    %gt3A = arith.constant 0.000000e+00 : bf16
    %gt3A_14 = vector.broadcast %gt3A : bf16 to vector<256x4096xbf16>
    %gt3A_15 = arith.cmpf ogt, %get3A_13, %gt3A_14 : vector<256x4096xbf16>
    %jit3A = arith.constant -9.000000e+15 : f32
    %broadcast_in_dim3A = vector.broadcast %jit3A : f32 to vector<256x4096xf32>
    %select_n3A_16 = arith.select %gt3A_15, %select_n3A, %broadcast_in_dim3A : vector<256x4096xi1>, vector<256x4096xf32>
    %reduce_max3A = arith.constant dense<0xFF800000> : vector<256xf32>
    %reduce_max3A_17 = vector.multi_reduction <maximumf>, %select_n3A_16, %reduce_max3A [1] : vector<256x4096xf32> to vector<256xf32>
    %broadcast_in_dim3A_18 = vector.shape_cast %reduce_max3A_17 : vector<256xf32> to vector<256x1xf32>
    %sub3A = vector.broadcast %broadcast_in_dim3A_18 : vector<256x1xf32> to vector<256x4096xf32>
    %sub3A_19 = arith.subf %select_n3A_16, %sub3A : vector<256x4096xf32>
    %exp3A = math.exp %sub3A_19 : vector<256x4096xf32>
    %reduce_sum3A = arith.constant dense<0.000000e+00> : vector<256xf32>
    %reduce_sum3A_20 = vector.multi_reduction <add>, %exp3A, %reduce_sum3A [1] : vector<256x4096xf32> to vector<256xf32>
    %broadcast_in_dim3A_21 = vector.shape_cast %reduce_sum3A_20 : vector<256xf32> to vector<256x1xf32>
    %div3A = vector.broadcast %broadcast_in_dim3A_21 : vector<256x1xf32> to vector<256x4096xf32>
    %div3A_22 = arith.divf %exp3A, %div3A : vector<256x4096xf32>
    %get3A_23 = arith.constant 0 : index
    %get3A_24 = arith.constant 0 : index
    %get3A_25 = vector.load %arg4[%get3A_23, %get3A_24] : memref<4096x64xf32, #tpu.memory_space<vmem>>, vector<4096x64xf32>
    %dot_general3A = arith.constant dense<0.000000e+00> : vector<256x64xf32>
    %dot_general3A_26 = tpu.matmul %div3A_22, %get3A_25, %dot_general3A {dimension_numbers = #tpu.dot_dimension_numbers<[1], [0], [0], [1], [0, 0, 1, 1], [], []>, precision = #tpu.contract_precision<fp32>, transpose_lhs_hint = false} : vector<256x4096xf32>, vector<4096x64xf32>, vector<256x64xf32> -> vector<256x64xf32>
    %swap3A = arith.constant 0 : index
    %swap3A_27 = arith.constant 0 : index
    %swap3A_28 = vector.load %arg5[%swap3A, %swap3A_27] : memref<256x64xf32, #tpu.memory_space<vmem>>, vector<256x64xf32>
    tpu.vector_store %arg5[%swap3A, %swap3A_27], %dot_general3A_26 {strides = array<i32>} : memref<256x64xf32, #tpu.memory_space<vmem>>, vector<256x64xf32>,
    %swap3A_29 = arith.constant 0 : index
    %swap3A_30 = arith.constant 0 : index
    %swap3A_31 = vector.load %arg6[%swap3A_29, %swap3A_30] : memref<256x4096xf32, #tpu.memory_space<vmem>>, vector<256x4096xf32>
    tpu.vector_store %arg6[%swap3A_29, %swap3A_30], %div3A_22 {strides = array<i32>} : memref<256x4096xf32, #tpu.memory_space<vmem>>, vector<256x4096xf32>,
    return
  }
  func.func @transform_0(%arg0: i32) -> (i32, i32) {
    %c0_i32 = arith.constant 0 : i32
    %c0_i32_0 = arith.constant 0 : i32
    return %arg0, %c0_i32 : i32, i32
  }
  func.func @transform_1(%arg0: i32) -> (i32, i32) {
    %c0_i32 = arith.constant 0 : i32
    %c0_i32_0 = arith.constant 0 : i32
    return %arg0, %c0_i32 : i32, i32
  }
  func.func @transform_2(%arg0: i32) -> (i32, i32) {
    %c0_i32 = arith.constant 0 : i32
    %c0_i32_0 = arith.constant 0 : i32
    %c0_i32_1 = arith.constant 0 : i32
    return %c0_i32, %c0_i32_0 : i32, i32
  }
  func.func @transform_3(%arg0: i32) -> (i32, i32) {
    %c0_i32 = arith.constant 0 : i32
    %c0_i32_0 = arith.constant 0 : i32
    %c0_i32_1 = arith.constant 0 : i32
    return %c0_i32, %c0_i32_0 : i32, i32
  }
  func.func @transform_4(%arg0: i32) -> (i32, i32) {
    %c0_i32 = arith.constant 0 : i32
    %c0_i32_0 = arith.constant 0 : i32
    return %arg0, %c0_i32 : i32, i32
  }
  func.func @transform_5(%arg0: i32) -> (i32, i32) {
    %c0_i32 = arith.constant 0 : i32
    %c0_i32_0 = arith.constant 0 : i32
    return %arg0, %c0_i32 : i32, i32
  }
}

module attributes {stable_mosaic.version = 14 : i64} {
  func.func @_out_body(%arg0: memref<4096x64xf32, #tpu.memory_space<vmem>>, %arg1: memref<64x16xf32, #tpu.memory_space<vmem>>, %arg2: memref<1x16xf32, #tpu.memory_space<vmem>>, %arg3: memref<4096x16xf32, #tpu.memory_space<vmem>>) attributes {dimension_semantics = [], scalar_prefetch = 0 : i64, scratch_operands = 0 : i64, tpu.core_type = #tpu.core_type<tc>} {
    %get3A = arith.constant 0 : index
    %get3A_0 = arith.constant 0 : index
    %get3A_1 = vector.load %arg0[%get3A, %get3A_0] : memref<4096x64xf32, #tpu.memory_space<vmem>>, vector<4096x64xf32>
    %get3A_2 = arith.constant 0 : index
    %get3A_3 = arith.constant 0 : index
    %get3A_4 = vector.load %arg1[%get3A_2, %get3A_3] : memref<64x16xf32, #tpu.memory_space<vmem>>, vector<64x16xf32>
    %dot_general3A = arith.constant dense<0.000000e+00> : vector<4096x16xf32>
    %dot_general3A_5 = tpu.matmul %get3A_1, %get3A_4, %dot_general3A {dimension_numbers = #tpu.dot_dimension_numbers<[1], [0], [0], [1], [0, 0, 1, 1], [], []>, transpose_lhs_hint = false} : vector<4096x64xf32>, vector<64x16xf32>, vector<4096x16xf32> -> vector<4096x16xf32>
    %get3A_6 = arith.constant 0 : index
    %get3A_7 = arith.constant 0 : index
    %get3A_8 = vector.load %arg2[%get3A_6, %get3A_7] : memref<1x16xf32, #tpu.memory_space<vmem>>, vector<1x16xf32>
    %add3A = vector.broadcast %get3A_8 : vector<1x16xf32> to vector<4096x16xf32>
    %add3A_9 = arith.addf %dot_general3A_5, %add3A : vector<4096x16xf32>
    %neg3A = arith.constant 0.000000e+00 : f32
    %neg3A_10 = vector.broadcast %neg3A : f32 to vector<4096x16xf32>
    %neg3A_11 = arith.subf %neg3A_10, %add3A_9 : vector<4096x16xf32>
    %exp3A = math.exp %neg3A_11 : vector<4096x16xf32>
    %add3A_12 = arith.constant 1.000000e+00 : f32
    %add3A_13 = vector.broadcast %add3A_12 : f32 to vector<4096x16xf32>
    %add3A_14 = arith.addf %add3A_13, %exp3A : vector<4096x16xf32>
    %div3A = arith.constant 1.000000e+00 : f32
    %div3A_15 = vector.broadcast %div3A : f32 to vector<4096x16xf32>
    %div3A_16 = arith.divf %div3A_15, %add3A_14 : vector<4096x16xf32>
    %swap3A = arith.constant 0 : index
    %swap3A_17 = arith.constant 0 : index
    %swap3A_18 = vector.load %arg3[%swap3A, %swap3A_17] : memref<4096x16xf32, #tpu.memory_space<vmem>>, vector<4096x16xf32>
    tpu.vector_store %arg3[%swap3A, %swap3A_17], %div3A_16 {strides = array<i32>} : memref<4096x16xf32, #tpu.memory_space<vmem>>, vector<4096x16xf32>,
    return
  }
}

</mosaic_0001>

<sc_bundles>
// kernel: kernel.43.cloned.1.call-start
scs
__scs_entry_jumppad:
0x0: {  	(pc) =	sbr.rel $0x88, $3  }
0x1: {  	(tag) =	ssettag $0x0;
	lr =	simm.s32 $0x1  }
0x2: {  	[smem:$0x3F8F] =	sst lr;
	_ =	strace $0xD0000000  }
0x3: {  	_ = 	snop  }
0x4: {  	_ = 	snop  }
0x5: {  	_ = 	snop  }
0x6: {  	_ = 	snop  }
0x7: {  	_ = 	snop  }
__scs_overlays_trampoline_lowered:
0x8: {  	[smem:$0x3F9E] =	sst s0  }
0x9: {  	[smem:$0x3F9F] =	sst s1  }
0xa: {  	[smem:$0x3FA0] =	sst s2  }
0xb: {  	[smem:$0x3FA1] =	sst s3  }
0xc: {  	[smem:$0x3FA2] =	sst s4  }
0xd: {  	[smem:$0x3FA3] =	sst s5  }
0xe: {  	[smem:$0x3FA4] =	sst s6  }
0xf: {  	[smem:$0x3FA5] =	sst s7  }
0x10: {  	[smem:$0x3FA6] =	sst s8  }
0x11: {  	[smem:$0x3FA7] =	sst s9;
	s0 =	simm.s32 @!p0 $0x0  }
0x12: {  	s1 =	sld [smem:$0x3F8D];
	s0 =	simm.s32 @p0 $0x1  }
0x13: {  	[smem:$0x3FA8] =	sst s0;
	s0 =	simm.s32 @!p1 $0x0  }
0x14: {  	s2 =	sld [smem:$0x3F8C];
	s0 =	simm.s32 @p1 $0x1  }
0x15: {  	[smem:$0x3FA9] =	sst s0;
	s0 =	simm.s32 @!p2 $0x0  }
0x16: {  	s3 =	sld [smem:$0x3FDB];
	s0 =	simm.s32 @p2 $0x1  }
0x17: {  	s4 =	simm.s32 $0x1BF5;
	[smem:$0x3FAB] =	sst s0  }
0x18: {  	s0 =	sld [smem:$0x3F8E];
	_ =	swait.ge [sflag:s4], $0x0  }
0x19: {  	s7 =	sld [smem:$0x3F8F]  }
0x1a: {  	s8 =	sadd.s32 $0xFFFFE003, lr  }
0x1b: {  	s9 =	sadd.s32 $0xFFFFFEF7, lr;
	s5 =	simm.s32 $0xFFFFFFFF;
	p2 =	slt.u32 s8, $0xFFFFF086  }
0x1c: {  	p1 =	slt.u32 s9, $0xF7A;
	s5 =	simm.s32 @!p2 $0x0  }
0x1d: {  	s5 =	simm.s32 @p1 $0x1;
	p0 =	seq.s32 s7, s2  }
0x1e: {  	s7 =	smul.u32 @!p0 $0xF7A, s2;
	p2 =	seq.s32 @!p0 s5, $0x0  }
0x1f: {  	s9 =	smul.u32 $0xF7A, s1;
	s8 =	simm.s32 @!p0 $0x1BF5;
	p2 =	por !p2, p0  }
0x20: {  	[sflag:s8] =	ssyncset.s32 @!p0 $0xFFFFF086;
	s6 =	sadd.s32 @!p0 s3, s7;
	s7 =	simm.s32 @!p0 $0x108  }
0x21: {  	s3 =	sadd.s32 s3, s9;
	s6 =	sadd.s32 @!p0 $0x88, s6;
	s7 =	simm.s32 @p2 $0x1082  }
0x22: {  	[simem:s7], [sflag:s8] =	dma.local @!p0 [hbm:s6], $0xF7A  }
0x23: {  	s9 =	sor.u32 $0xD0000000, s2;
	s6 =	simm.s32 $0x108;
	_ =	swait.ge @!p0 [sflag:s8], $0x0  }
0x24: {  	s3 =	sadd.s32 $0x88, s3;
	s6 =	simm.s32 @!p1 $0x1082;
	[sflag:s4] =	ssyncset.s32 $0xFFFFF086  }
0x25: {  	[simem:s6], [sflag:s4] =	dma.local [hbm:s3], $0xF7A  }
0x26: {  	[smem:$0x3F8F] =	sst s1;
	(tag) =	ssettag s2;
	_ =	strace s9  }
0x27: {  	s1 =	sld [smem:$0x3F9F]  }
0x28: {  	s2 =	sld [smem:$0x3FA0]  }
0x29: {  	s4 =	sld [smem:$0x3FA2]  }
0x2a: {  	p0 =	seq.s32 s5, $0x0;
	s5 =	sld [smem:$0x3FA3]  }
0x2b: {  	s6 =	sld [smem:$0x3FA4]  }
0x2c: {  	s7 =	sld [smem:$0x3FA5]  }
0x2d: {  	s3 =	simm.s32 $0x108;
	s8 =	sld [smem:$0x3FA6]  }
0x2e: {  	s3 =	simm.s32 @!p0 $0x1082;
	s9 =	sld [smem:$0x3FA7]  }
0x2f: {  	lr =	sadd.s32 s0, s3;
	s0 =	sld [smem:$0x3F9E]  }
0x30: {  	s3 =	sld [smem:$0x3FA1]  }
0x31: {  	[smem:$0x3FAA] =	sst s10  }
0x32: {  	s10 =	sld [smem:$0x3FA8];
	_ =	sdelay $0x3  }
0x33: {  	p0 =	seq.s32 s10, $0x1;
	s10 =	sld [smem:$0x3FAA];
	_ =	sdelay $0x3  }
0x34: {  	[smem:$0x3FAA] =	sst s10  }
0x35: {  	s10 =	sld [smem:$0x3FA9];
	_ =	sdelay $0x3  }
0x36: {  	p1 =	seq.s32 s10, $0x1;
	s10 =	sld [smem:$0x3FAA];
	_ =	sdelay $0x3  }
0x37: {  	[smem:$0x3FAA] =	sst s10  }
0x38: {  	s10 =	sld [smem:$0x3FAB]  }
0x39: {  	_ = 	snop;
	(pc) =	sbr.ind lr, $3  }
0x3a: {  	_ = 	snop  }
0x3b: {  	_ = 	snop  }
0x3c: {  	p2 =	seq.s32 s10, $0x1;
	s10 =	sld [smem:$0x3FAA]  }
0x3d: {  	_ =	shalt  }
0x3e: {  	_ =	shalt  }
0x3f: {  	_ =	shalt  }
0x40: {  	_ =	shalt  }
0x41: {  	_ =	shalt  }
0x42: {  	_ =	shalt  }
0x43: {  	_ =	shalt  }
0x44: {  	_ =	shalt  }
0x45: {  	_ =	shalt  }
0x46: {  	_ =	shalt  }
0x47: {  	_ =	shalt  }
0x48: {  	_ =	shalt  }
0x49: {  	_ =	shalt  }
0x4a: {  	_ =	shalt  }
0x4b: {  	_ =	shalt  }
0x4c: {  	_ =	shalt  }
0x4d: {  	_ =	shalt  }
0x4e: {  	_ =	shalt  }
0x4f: {  	_ =	shalt  }
0x50: {  	_ =	shalt  }
0x51: {  	_ =	shalt  }
0x52: {  	_ =	shalt  }
0x53: {  	_ =	shalt  }
0x54: {  	_ =	shalt  }
0x55: {  	_ =	shalt  }
0x56: {  	_ =	shalt  }
0x57: {  	_ =	shalt  }
0x58: {  	_ =	shalt  }
0x59: {  	_ =	shalt  }
0x5a: {  	_ =	shalt  }
0x5b: {  	_ =	shalt  }
0x5c: {  	_ =	shalt  }
0x5d: {  	_ =	shalt  }
0x5e: {  	_ =	shalt  }
0x5f: {  	_ =	shalt  }
0x60: {  	_ =	shalt  }
0x61: {  	_ =	shalt  }
0x62: {  	_ =	shalt  }
0x63: {  	_ =	shalt  }
0x64: {  	_ =	shalt  }
0x65: {  	_ =	shalt  }
0x66: {  	_ =	shalt  }
0x67: {  	_ =	shalt  }
0x68: {  	_ =	shalt  }
0x69: {  	_ =	shalt  }
0x6a: {  	_ =	shalt  }
0x6b: {  	_ =	shalt  }
0x6c: {  	_ =	shalt  }
0x6d: {  	_ =	shalt  }
0x6e: {  	_ =	shalt  }
0x6f: {  	_ =	shalt  }
0x70: {  	_ =	shalt  }
0x71: {  	_ =	shalt  }
0x72: {  	_ =	shalt  }
0x73: {  	_ =	shalt  }
0x74: {  	_ =	shalt  }
0x75: {  	_ =	shalt  }
0x76: {  	_ =	shalt  }
0x77: {  	_ =	shalt  }
0x78: {  	_ =	shalt  }
0x79: {  	_ =	shalt  }
0x7a: {  	_ =	shalt  }
0x7b: {  	_ =	shalt  }
0x7c: {  	_ =	shalt  }
0x7d: {  	_ =	shalt  }
0x7e: {  	_ =	shalt  }
0x7f: {  	_ =	shalt  }
0x80: {  	_ =	shalt  }
0x81: {  	_ =	shalt  }
0x82: {  	_ =	shalt  }
0x83: {  	_ =	shalt  }
0x84: {  	_ =	shalt  }
0x85: {  	_ =	shalt  }
0x86: {  	_ =	shalt  }
0x87: {  	_ =	shalt  }
.Lfunc_end0:
.L_simem_size_0:
called_computation_lowered:
.L_overlay_start_0:
0x88: {  	s2 =	sld [smem:$0x3FD9]  }
0x89: {  	s3 =	sld [smem:$0x3FFE];
	_ =	sdelay $0x1  }
0x8a: {  	s1 =	srdreg.scid  }
0x8b: {  	s0 =	sand.u32 $0x1, s1  }
0x8c: {  	s14 =	sshll.u32 s0, $0xA;
	s2 =	sadd.s32 s3, s2  }
0x8d: {  	s2 =	sadd.s32 s2, s14  }
0x8e: {  	[smem:$0x3FB6] =	sst s2  }
0x8f: {  	_ = 	snop  }
0x90: {  	s2 =	sld [smem:$0x3FD0];
	_ =	sdelay $0x2  }
0x91: {  	s5 =	simm.s32 $0xA  }
0x92: {  	s6 =	simm.s32 $0x10;
	s15 =	sld [smem:$0x3FC8];
	s4 =	sadd.s32 $0x1, s2  }
0x93: {  	[smem:s6], [sflag:s5] =	dma.local [hbm:s4], $0x1  }
0x94: {  	_ =	swait.eq [sflag:s5], $0x1  }
0x95: {  	[sflag:s5] =	ssyncset.done $0x0  }
0x96: {  	[sflag:s5] =	ssyncadd.s32 $0xFFFFFFFF  }
0x97: {  	s16 =	sld [smem:$0x11]  }
0x98: {  	[smem:s6], [sflag:s5] =	dma.local [hbm:s2], $0x1  }
0x99: {  	_ =	swait.eq [sflag:s5], $0x1  }
0x9a: {  	[sflag:s5] =	ssyncset.done $0x0  }
0x9b: {  	[sflag:s5] =	ssyncadd.s32 $0xFFFFFFFF  }
0x9c: {  	s17 =	sld [smem:$0x17];
	(tm) =	ssettm $0x1  }
0x9d: {  	s18 =	sld [smem:$0x3FFB];
	_ =	sdelay $0x3  }
0x9e: {  	_ =	strace s18  }
0x9f: {  	s5 =	sld [smem:$0x3FFC];
	_ =	sdelay $0x3  }
0xa0: {  	_ =	strace s5  }
0xa1: {  	s5 =	sld [smem:$0x3FFD];
	_ =	sdelay $0x3  }
0xa2: {  	_ =	strace s5  }
0xa3: {  	_ =	strace $0x8FFFFFFF  }
0xa4: {  	s19 =	sld [smem:$0x3FDB];
	_ =	sdelay $0x1  }
0xa5: {  	s20 =	simm.s32 $_scs_section_size  }
0xa6: {  	s7 =	simm.s32 $_size__tile_overlayer_lowered;
	s8 =	simm.s32 $_tile_overlayer_lowered  }
0xa7: {  	s23 =	simm.s32 $0x1BFF;
	s22 =	sshll.u32 s8, $0x1;
	s5 =	sadd.s32 s20, s19  }
0xa8: {  	s9 =	simm.s32 $0x0;
	s21 =	sshll.u32 s7, $0x1;
	s7 =	sadd.s32 s22, s5  }
0xa9: {  	[timem:s9], [sflag:s23] =	dma.local [hbm:s7], s21  }
0xaa: {  	_ =	swait.ge [sflag:s23], s21  }
0xab: {  	s6 =	ssub.s32 $0x0, s21;
	[sflag:s23] =	ssyncset.done $0x0  }
0xac: {  	[sflag:s23] =	ssyncadd.s32 s6;
	_ =	sdelay $0x1  }
0xad: {  	s24 =	simm.s32 $0x1B8B  }
0xae: {  	_ =	swait.ge [sflag:s24], $0x1  }
0xaf: {  	[sflag:s24] =	ssyncset.done $0x0  }
0xb0: {  	s25 =	simm.s32 $0x1B8E;
	[sflag:s24] =	ssyncadd.s32 $0xFFFFFFFF  }
0xb1: {  	s26 =	simm.s32 $execute0_lowered;
	[smem:$0x3FD2] =	sst s25  }
0xb2: {  	s6 =	sshll.u32 s26, $0x1;
	_ =	strace $0x80000046;
	[dreg:$0x1] =	wrdreg $0xFFFFFFFF  }
0xb3: {  	s28 =	simm.s32 $_size_execute0_lowered;
	s5 =	sadd.s32 s5, s6;
	[dreg:$0x0] =	wrdreg $0x0  }
0xb4: {  	s6 =	sshll.u32 s28, $0x1;
	[dreg:$0x2] =	wrdreg s5  }
0xb5: {  	[dreg:$0x3] =	wrdreg s6  }
0xb6: {  	[dreg:$0x4] =	wrdreg $0xC0  }
0xb7: {  	_ =	task [dreg:s9], $0x5FFFF  }
0xb8: {  	[dreg:$0x1] =	wrdreg $0xFFFFFFFF  }
0xb9: {  	[dreg:$0x0] =	wrdreg $0x60  }
0xba: {  	[dreg:$0x2] =	wrdreg s15  }
0xbb: {  	[dreg:$0x3] =	wrdreg s17  }
0xbc: {  	[dreg:$0x4] =	wrdreg s16  }
0xbd: {  	[dreg:$0x5] =	wrdreg $0x9  }
0xbe: {  	_ =	task.clear_ibuf [dreg:s9], $0x6FFFF;
	_ =	strace $0x90000046  }
0xbf: {  	s29 =	simm.s32 $0x9;
	_ =	strace $0x80000048  }
0xc0: {  	_ =	swait.ge [sflag:s29], $0x1  }
0xc1: {  	[sflag:s29] =	ssyncadd.s32 $0xFFFFFFFF  }
0xc2: {  	_ =	strace $0x90000048  }
0xc3: {  	_ =	sfence  }
0xc4: {  	s30 =	sld [smem:$0x0];
	_ =	sdelay $0x2  }
0xc5: {  	s31 =	sshll.u32 s1, $0xD;
	s1 =	sshrl.u32 s1, $0x2  }
0xc6: {  	s3 =	sand.u32 $0x4000, s31;
	s1 =	sadd.s32 s1, s30  }
0xc7: {  	s0 =	sor.u32 s3, s0;
	s1 =	sshll.u32 s1, $0x11  }
0xc8: {  	s0 =	sor.u32 s1, s0  }
0xc9: {  	s0 =	sadd.s32 $0x8F2B, s0  }
0xca: {  	[sflag:s0] =	ssyncadd.remote.s32 $0x1  }
0xcb: {  	_ =	sfence.sel $0xFFFF  }
0xcc: {  	[dreg:$0x0] =	wrdreg $0xFFFFFFFF;
	(pc) =	sbr.abs _section_cstart, $3  }
0xcd: {  	[dreg:$0x1] =	wrdreg $0xFFFFFFFF  }
0xce: {  	_ =	task.clear_ibuf [dreg:s9], $0x2FFFF;
	_ =	strace $0x9FFFFFFF  }
0xcf: {  	(tm) =	ssettm $0x7FFFFFFF  }
tec
execute0_lowered:
.L_overlay_start_1:
0x0: {  	(tag) =	ssettag $0x1  }
0x1: {  	s1 =	rddreg [dreg:$0x0]  }
0x2: {  	s0 =	rddreg [dreg:$0x1]  }
0x3: {  	s3 =	rddreg [dreg:$0x2];
	s2 =	simm.s32 $0x0;
	s4 =	srdreg.scid  }
0x4: {  	s10 =	stileid.u32;
	s13 =	simm.s32 $0x2;
	s14 =	simm.s32 $0x80  }
0x5: {  	s15 =	simm.s32 $0x880;
	s28 =	simm.s32 $0x6880;
	s29 =	simm.s32 $0x7080  }
0x6: {  	s30 =	simm.s32 $0x7880;
	[smem:$0x7FF] =	sst s2;
	s5 =	sadd.s32 $0x100, s1  }
0x7: {  	s16 =	sadd.s32 $0x200, s1;
	_ =	strace $0x80000047;
	[dreg:$0x4] =	wrdreg s5  }
0x8: {  	s31 =	simm.s32 $0x1;
	s17 =	sadd.s32 $0x300, s1;
	[dreg:$0x5] =	wrdreg s16  }
0x9: {  	s4 =	sand.u32 $0x1, s4;
	s18 =	sadd.s32 $0x400, s1;
	[dreg:$0x6] =	wrdreg s17  }
0xa: {  	s19 =	sadd.s32 $0x500, s1;
	s8 =	sshll.u32 s10, $0x7;
	[dreg:$0x7] =	wrdreg s18  }
0xb: {  	s20 =	sadd.s32 $0x600, s1;
	s21 =	sadd.s32 $0x700, s1;
	[dreg:$0x8] =	wrdreg s19  }
0xc: {  	s22 =	sadd.s32 $0x800, s1;
	s23 =	sadd.s32 $0x900, s1;
	[dreg:$0x9] =	wrdreg s20  }
0xd: {  	s24 =	sshll.u32 s10, $0x10;
	s10 =	sadd.s32 $0xF00, s1;
	[dreg:$0xa] =	wrdreg s21  }
0xe: {  	s6 =	ssub.s32 $0x2, s4;
	s9 =	sshll.u32 s4, $0x6;
	[dreg:$0xb] =	wrdreg s22  }
0xf: {  	[dreg:$0xc] =	wrdreg s23;
	s5 =	sadd.s32 $0xA00, s1;
	s25 =	sshll.u32 s4, $0xF  }
0x10: {  	s16 =	simm.s32 $0x1080;
	s17 =	simm.s32 $0x1880;
	s18 =	simm.s32 $0x2080  }
0x11: {  	s19 =	simm.s32 $0x2880;
	s20 =	simm.s32 $0x3080;
	s21 =	simm.s32 $0x3880  }
0x12: {  	s22 =	simm.s32 $0x4080;
	s23 =	simm.s32 $0x4880;
	s8 =	sor.u32 s9, s8  }
0x13: {  	s7 =	sshrl.u32 s6, $0x1;
	s9 =	sadd.s32 $0xE00, s1;
	s8 =	sshrl.u32 s8, $0x3  }
0x14: {  	s11 =	ssub.s32 s6, s7;
	s6 =	sadd.s32 $0xB00, s1;
	s0 =	sadd.s32 s0, s8  }
0x15: {  	s7 =	sadd.s32 $0xC00, s1;
	s26 =	smax.u32 s11, $0x1;
	[dreg:$0xd] =	wrdreg s0  }
0x16: {  	v0 =	vlaneseq.u32;
	s8 =	sadd.s32 $0xD00, s1;
	s0 =	sadd.s32 s24, s3;
	[dreg:$0xe] =	wrdreg s26  }
0x17: {  	v1 =	vshrl.u32 v0, $0x3;
	s24 =	simm.s32 $0x5080;
	s26 =	simm.s32 $0x6080;
	s0 =	sadd.s32 s25, s0  }
0x18: {  	vm0 =	vmmov $0xffff;
	v0 =	vand.u32 $0x7, v0;
	v1 =	vmul.u32 $0x8, v1;
	s3 =	simm.s32 $0x0;
	s25 =	simm.s32 $0x5880;
	[dreg:$0xf] =	wrdreg s0  }
.LBB2_1:
0x19: {  	[dreg:$0x10] =	wrdreg s3  }
0x1a: {  	s0 =	rddreg [dreg:$0xd]  }
0x1b: {  	[tilespmem:s2], [sflag:$0x2] =	stream.linear.gather [hbm4b:s0+s2], $0x40, $0x38;
	[tilespmem:$0x8080] =	vst v63  }
0x1c: {  	_ =	swait.ge [sflag:s13], $0x40  }
0x1d: {  	[sflag:s13] =	ssyncset.done $0x0  }
0x1e: {  	s12 =	simm.s32 $0x0;
	[sflag:s13] =	ssyncadd.s32 $0xFFFFFFC0  }
0x1f: {  	v2 =	vld.msk [tilespmem:s12+$0x0], $0xff;
	_ =	sdelay $0x4  }
0x20: {  	v3 =	vshll.u32 v2, $0x5  }
0x21: {  	v2 =	vand.u32 $0x7, v2;
	v3 =	vand.u32 $0xFFFFFF00, v3  }
0x22: {  	v2 =	vor.u32 v2, v3  }
0x23: {  	v2 =	vperm.xlane v2, v0;
	_ =	sdelay $0x1  }
0x24: {  	v2 =	vadd.s32 v1, v2;
	_ =	sdelay $0x4  }
0x25: {  	[tilespmem:s14], [sflag:$0x1] =	stream.indirect_vreg.gather [hbm4b:s1+s2], $0x80, v2, vm0, $0xb8;
	[tilespmem:$0x8080] =	vst v63  }
0x26: {  	s0 =	rddreg [dreg:$0x4]  }
0x27: {  	[tilespmem:s15], [sflag:$0x1] =	stream.indirect_vreg.gather [hbm4b:s0+s2], $0x80, v2, vm0, $0xb8;
	[tilespmem:$0x8080] =	vst v63  }
0x28: {  	s4 =	rddreg [dreg:$0x5]  }
0x29: {  	[tilespmem:s16], [sflag:$0x1] =	stream.indirect_vreg.gather [hbm4b:s4+s2], $0x80, v2, vm0, $0xb8;
	[tilespmem:$0x8080] =	vst v63  }
0x2a: {  	s11 =	rddreg [dreg:$0x6]  }
0x2b: {  	[tilespmem:s17], [sflag:$0x1] =	stream.indirect_vreg.gather [hbm4b:s11+s2], $0x80, v2, vm0, $0xb8;
	[tilespmem:$0x8080] =	vst v63  }
0x2c: {  	s12 =	rddreg [dreg:$0x7]  }
0x2d: {  	[tilespmem:s18], [sflag:$0x1] =	stream.indirect_vreg.gather [hbm4b:s12+s2], $0x80, v2, vm0, $0xb8;
	[tilespmem:$0x8080] =	vst v63  }
0x2e: {  	s0 =	rddreg [dreg:$0x8]  }
0x2f: {  	[tilespmem:s19], [sflag:$0x1] =	stream.indirect_vreg.gather [hbm4b:s0+s2], $0x80, v2, vm0, $0xb8;
	[tilespmem:$0x8080] =	vst v63  }
0x30: {  	s11 =	rddreg [dreg:$0x9]  }
0x31: {  	[tilespmem:s20], [sflag:$0x1] =	stream.indirect_vreg.gather [hbm4b:s11+s2], $0x80, v2, vm0, $0xb8;
	[tilespmem:$0x8080] =	vst v63  }
0x32: {  	s12 =	rddreg [dreg:$0xa]  }
0x33: {  	[tilespmem:s21], [sflag:$0x1] =	stream.indirect_vreg.gather [hbm4b:s12+s2], $0x80, v2, vm0, $0xb8;
	[tilespmem:$0x8080] =	vst v63  }
0x34: {  	s0 =	rddreg [dreg:$0xb]  }
0x35: {  	[tilespmem:s22], [sflag:$0x1] =	stream.indirect_vreg.gather [hbm4b:s0+s2], $0x80, v2, vm0, $0xb8;
	[tilespmem:$0x8080] =	vst v63  }
0x36: {  	s11 =	rddreg [dreg:$0xc]  }
0x37: {  	[tilespmem:s23], [sflag:$0x1] =	stream.indirect_vreg.gather [hbm4b:s11+s2], $0x80, v2, vm0, $0xb8;
	[tilespmem:$0x8080] =	vst v63  }
0x38: {  	_ = 	snop  }
0x39: {  	[tilespmem:s24], [sflag:$0x1] =	stream.indirect_vreg.gather [hbm4b:s5+s2], $0x80, v2, vm0, $0xb8;
	[tilespmem:$0x8080] =	vst v63  }
0x3a: {  	_ = 	snop  }
0x3b: {  	[tilespmem:s25], [sflag:$0x1] =	stream.indirect_vreg.gather [hbm4b:s6+s2], $0x80, v2, vm0, $0xb8;
	[tilespmem:$0x8080] =	vst v63  }
0x3c: {  	_ = 	snop  }
0x3d: {  	[tilespmem:s26], [sflag:$0x1] =	stream.indirect_vreg.gather [hbm4b:s7+s2], $0x80, v2, vm0, $0xb8;
	[tilespmem:$0x8080] =	vst v63  }
0x3e: {  	_ = 	snop  }
0x3f: {  	[tilespmem:s28], [sflag:$0x1] =	stream.indirect_vreg.gather [hbm4b:s8+s2], $0x80, v2, vm0, $0xb8;
	[tilespmem:$0x8080] =	vst v63  }
0x40: {  	_ = 	snop  }
0x41: {  	[tilespmem:s29], [sflag:$0x1] =	stream.indirect_vreg.gather [hbm4b:s9+s2], $0x80, v2, vm0, $0xb8;
	[tilespmem:$0x8080] =	vst v63  }
0x42: {  	_ = 	snop  }
0x43: {  	[tilespmem:s30], [sflag:$0x1] =	stream.indirect_vreg.gather [hbm4b:s10+s2], $0x80, v2, vm0, $0xb8;
	[tilespmem:$0x8080] =	vst v63  }
0x44: {  	_ =	swait.ge [sflag:s31], $0x8000  }
0x45: {  	[sflag:s31] =	ssyncset.done $0x0  }
0x46: {  	s12 =	rddreg [dreg:$0xf];
	[sflag:s31] =	ssyncadd.s32 $0xFFFF8000  }
0x47: {  	[hbm4b:s12+s2] =	stream.linear.scatter [tilespmem:s14], [sflag:$0x2], $0x8000, $0x38;
	[tilespmem:$0x8080] =	vst v63  }
0x48: {  	s4 =	simm.s32 $0x20;
	_ =	swait.ge [sflag:s13], $0x8000  }
0x49: {  	s11 =	simm.s32 $0x40;
	s3 =	sadd.s32 $0x1000, s12;
	[sflag:s13] =	ssyncset.done $0x0  }
.LBB2_2:
0x4a: {  	s0 =	sshra.s32 s4, $0x2;
	[sflag:s13] =	ssyncadd.s32 $0xFFFF8000  }
0x4b: {  	v2 =	vld.msk [tilespmem:s0+$0x0], $0xff;
	_ =	sdelay $0x4  }
0x4c: {  	v3 =	vshll.u32 v2, $0x5  }
0x4d: {  	v2 =	vand.u32 $0x7, v2;
	v3 =	vand.u32 $0xFFFFFF00, v3  }
0x4e: {  	v2 =	vor.u32 v2, v3  }
0x4f: {  	v2 =	vperm.xlane v2, v0;
	_ =	sdelay $0x1  }
0x50: {  	v2 =	vadd.s32 v1, v2;
	_ =	sdelay $0x4  }
0x51: {  	[tilespmem:s14], [sflag:$0x1] =	stream.indirect_vreg.gather [hbm4b:s1+s2], $0x80, v2, vm0, $0xb8;
	[tilespmem:$0x8080] =	vst v63  }
0x52: {  	s4 =	smov.u32 s11;
	s0 =	rddreg [dreg:$0x4]  }
0x53: {  	[tilespmem:s15], [sflag:$0x1] =	stream.indirect_vreg.gather [hbm4b:s0+s2], $0x80, v2, vm0, $0xb8;
	[tilespmem:$0x8080] =	vst v63  }
0x54: {  	s12 =	sadd.s32 $0x20, s11;
	p0 =	sne.s32 s11, $0xE0;
	s11 =	rddreg [dreg:$0x5]  }
0x55: {  	[tilespmem:s16], [sflag:$0x1] =	stream.indirect_vreg.gather [hbm4b:s11+s2], $0x80, v2, vm0, $0xb8;
	[tilespmem:$0x8080] =	vst v63  }
0x56: {  	s0 =	rddreg [dreg:$0x6]  }
0x57: {  	[tilespmem:s17], [sflag:$0x1] =	stream.indirect_vreg.gather [hbm4b:s0+s2], $0x80, v2, vm0, $0xb8;
	[tilespmem:$0x8080] =	vst v63  }
0x58: {  	s11 =	rddreg [dreg:$0x7]  }
0x59: {  	[tilespmem:s18], [sflag:$0x1] =	stream.indirect_vreg.gather [hbm4b:s11+s2], $0x80, v2, vm0, $0xb8;
	[tilespmem:$0x8080] =	vst v63  }
0x5a: {  	s0 =	rddreg [dreg:$0x8]  }
0x5b: {  	[tilespmem:s19], [sflag:$0x1] =	stream.indirect_vreg.gather [hbm4b:s0+s2], $0x80, v2, vm0, $0xb8;
	[tilespmem:$0x8080] =	vst v63  }
0x5c: {  	s11 =	rddreg [dreg:$0x9]  }
0x5d: {  	[tilespmem:s20], [sflag:$0x1] =	stream.indirect_vreg.gather [hbm4b:s11+s2], $0x80, v2, vm0, $0xb8;
	[tilespmem:$0x8080] =	vst v63  }
0x5e: {  	s0 =	rddreg [dreg:$0xa]  }
0x5f: {  	[tilespmem:s21], [sflag:$0x1] =	stream.indirect_vreg.gather [hbm4b:s0+s2], $0x80, v2, vm0, $0xb8;
	[tilespmem:$0x8080] =	vst v63  }
0x60: {  	s11 =	rddreg [dreg:$0xb]  }
0x61: {  	[tilespmem:s22], [sflag:$0x1] =	stream.indirect_vreg.gather [hbm4b:s11+s2], $0x80, v2, vm0, $0xb8;
	[tilespmem:$0x8080] =	vst v63  }
0x62: {  	s0 =	rddreg [dreg:$0xc]  }
0x63: {  	[tilespmem:s23], [sflag:$0x1] =	stream.indirect_vreg.gather [hbm4b:s0+s2], $0x80, v2, vm0, $0xb8;
	[tilespmem:$0x8080] =	vst v63  }
0x64: {  	_ = 	snop  }
0x65: {  	[tilespmem:s24], [sflag:$0x1] =	stream.indirect_vreg.gather [hbm4b:s5+s2], $0x80, v2, vm0, $0xb8;
	[tilespmem:$0x8080] =	vst v63  }
0x66: {  	_ = 	snop  }
0x67: {  	[tilespmem:s25], [sflag:$0x1] =	stream.indirect_vreg.gather [hbm4b:s6+s2], $0x80, v2, vm0, $0xb8;
	[tilespmem:$0x8080] =	vst v63  }
0x68: {  	_ = 	snop  }
0x69: {  	[tilespmem:s26], [sflag:$0x1] =	stream.indirect_vreg.gather [hbm4b:s7+s2], $0x80, v2, vm0, $0xb8;
	[tilespmem:$0x8080] =	vst v63  }
0x6a: {  	_ = 	snop  }
0x6b: {  	[tilespmem:s28], [sflag:$0x1] =	stream.indirect_vreg.gather [hbm4b:s8+s2], $0x80, v2, vm0, $0xb8;
	[tilespmem:$0x8080] =	vst v63  }
0x6c: {  	_ = 	snop  }
0x6d: {  	[tilespmem:s29], [sflag:$0x1] =	stream.indirect_vreg.gather [hbm4b:s9+s2], $0x80, v2, vm0, $0xb8;
	[tilespmem:$0x8080] =	vst v63  }
0x6e: {  	_ = 	snop  }
0x6f: {  	[tilespmem:s30], [sflag:$0x1] =	stream.indirect_vreg.gather [hbm4b:s10+s2], $0x80, v2, vm0, $0xb8;
	[tilespmem:$0x8080] =	vst v63  }
0x70: {  	_ =	swait.ge [sflag:s31], $0x8000  }
.Ltmp0:
0x71: {  	[sflag:s31] =	ssyncset.done $0x0;
	(pc) =	sbr.rel @p0 .LBB2_2-.Ltmp0, $4  }
0x72: {  	[sflag:s31] =	ssyncadd.s32 $0xFFFF8000  }
0x73: {  	[hbm4b:s3+s2] =	stream.linear.scatter [tilespmem:s14], [sflag:$0x2], $0x8000, $0x38;
	[tilespmem:$0x8080] =	vst v63  }
0x74: {  	_ =	swait.ge [sflag:s13], $0x8000  }
0x75: {  	s11 =	smov.u32 s12;
	s3 =	sadd.s32 $0x1000, s3;
	[sflag:s13] =	ssyncset.done $0x0  }
0x76: {  	s0 =	sshra.s32 s4, $0x2;
	[sflag:s13] =	ssyncadd.s32 $0xFFFF8000  }
0x77: {  	v2 =	vld.msk [tilespmem:s0+$0x0], $0xff;
	_ =	sdelay $0x4  }
0x78: {  	v3 =	vshll.u32 v2, $0x5  }
0x79: {  	v2 =	vand.u32 $0x7, v2;
	v3 =	vand.u32 $0xFFFFFF00, v3  }
0x7a: {  	v2 =	vor.u32 v2, v3  }
0x7b: {  	v2 =	vperm.xlane v2, v0;
	_ =	sdelay $0x1  }
0x7c: {  	v2 =	vadd.s32 v1, v2;
	_ =	sdelay $0x4  }
0x7d: {  	[tilespmem:s14], [sflag:$0x1] =	stream.indirect_vreg.gather [hbm4b:s1+s2], $0x80, v2, vm0, $0xb8;
	[tilespmem:$0x8080] =	vst v63  }
0x7e: {  	s4 =	rddreg [dreg:$0x4]  }
0x7f: {  	[tilespmem:s15], [sflag:$0x1] =	stream.indirect_vreg.gather [hbm4b:s4+s2], $0x80, v2, vm0, $0xb8;
	[tilespmem:$0x8080] =	vst v63  }
0x80: {  	s11 =	rddreg [dreg:$0x5]  }
0x81: {  	[tilespmem:s16], [sflag:$0x1] =	stream.indirect_vreg.gather [hbm4b:s11+s2], $0x80, v2, vm0, $0xb8;
	[tilespmem:$0x8080] =	vst v63  }
0x82: {  	s12 =	rddreg [dreg:$0x6]  }
0x83: {  	[tilespmem:s17], [sflag:$0x1] =	stream.indirect_vreg.gather [hbm4b:s12+s2], $0x80, v2, vm0, $0xb8;
	[tilespmem:$0x8080] =	vst v63  }
0x84: {  	s11 =	rddreg [dreg:$0x7]  }
0x85: {  	[tilespmem:s18], [sflag:$0x1] =	stream.indirect_vreg.gather [hbm4b:s11+s2], $0x80, v2, vm0, $0xb8;
	[tilespmem:$0x8080] =	vst v63  }
0x86: {  	s12 =	rddreg [dreg:$0x8]  }
0x87: {  	[tilespmem:s19], [sflag:$0x1] =	stream.indirect_vreg.gather [hbm4b:s12+s2], $0x80, v2, vm0, $0xb8;
	[tilespmem:$0x8080] =	vst v63  }
0x88: {  	s11 =	rddreg [dreg:$0x9]  }
0x89: {  	[tilespmem:s20], [sflag:$0x1] =	stream.indirect_vreg.gather [hbm4b:s11+s2], $0x80, v2, vm0, $0xb8;
	[tilespmem:$0x8080] =	vst v63  }
0x8a: {  	s12 =	rddreg [dreg:$0xa]  }
0x8b: {  	[tilespmem:s21], [sflag:$0x1] =	stream.indirect_vreg.gather [hbm4b:s12+s2], $0x80, v2, vm0, $0xb8;
	[tilespmem:$0x8080] =	vst v63  }
0x8c: {  	s11 =	rddreg [dreg:$0xb]  }
0x8d: {  	[tilespmem:s22], [sflag:$0x1] =	stream.indirect_vreg.gather [hbm4b:s11+s2], $0x80, v2, vm0, $0xb8;
	[tilespmem:$0x8080] =	vst v63  }
0x8e: {  	s12 =	rddreg [dreg:$0xc]  }
0x8f: {  	[tilespmem:s23], [sflag:$0x1] =	stream.indirect_vreg.gather [hbm4b:s12+s2], $0x80, v2, vm0, $0xb8;
	[tilespmem:$0x8080] =	vst v63  }
0x90: {  	_ = 	snop  }
0x91: {  	[tilespmem:s24], [sflag:$0x1] =	stream.indirect_vreg.gather [hbm4b:s5+s2], $0x80, v2, vm0, $0xb8;
	[tilespmem:$0x8080] =	vst v63  }
0x92: {  	_ = 	snop  }
0x93: {  	[tilespmem:s25], [sflag:$0x1] =	stream.indirect_vreg.gather [hbm4b:s6+s2], $0x80, v2, vm0, $0xb8;
	[tilespmem:$0x8080] =	vst v63  }
0x94: {  	_ = 	snop  }
0x95: {  	[tilespmem:s26], [sflag:$0x1] =	stream.indirect_vreg.gather [hbm4b:s7+s2], $0x80, v2, vm0, $0xb8;
	[tilespmem:$0x8080] =	vst v63  }
0x96: {  	_ = 	snop  }
0x97: {  	[tilespmem:s28], [sflag:$0x1] =	stream.indirect_vreg.gather [hbm4b:s8+s2], $0x80, v2, vm0, $0xb8;
	[tilespmem:$0x8080] =	vst v63  }
0x98: {  	_ = 	snop  }
0x99: {  	[tilespmem:s29], [sflag:$0x1] =	stream.indirect_vreg.gather [hbm4b:s9+s2], $0x80, v2, vm0, $0xb8;
	[tilespmem:$0x8080] =	vst v63  }
0x9a: {  	_ = 	snop  }
0x9b: {  	[tilespmem:s30], [sflag:$0x1] =	stream.indirect_vreg.gather [hbm4b:s10+s2], $0x80, v2, vm0, $0xb8;
	[tilespmem:$0x8080] =	vst v63  }
0x9c: {  	_ =	swait.ge [sflag:s31], $0x8000  }
0x9d: {  	[sflag:s31] =	ssyncset.done $0x0  }
0x9e: {  	[sflag:s31] =	ssyncadd.s32 $0xFFFF8000  }
0x9f: {  	[hbm4b:s3+s2] =	stream.linear.scatter [tilespmem:s14], [sflag:$0x2], $0x8000, $0x38;
	[tilespmem:$0x8080] =	vst v63  }
0xa0: {  	_ =	swait.ge [sflag:s13], $0x8000  }
0xa1: {  	s11 =	rddreg [dreg:$0x10]  }
0xa2: {  	s12 =	rddreg [dreg:$0xe];
	s3 =	sadd.s32 $0x1, s11  }
0xa3: {  	p0 =	sne.s32 s3, s12  }
.Ltmp1:
0xa4: {  	_ = 	snop;
	(pc) =	sbr.rel @p0 .LBB2_1-.Ltmp1, $3  }
0xa5: {  	_ =	sdelay $0x1  }
0xa6: {  	[sflag:s13] =	ssyncset.done $0x0  }
0xa7: {  	[sflag:s13] =	ssyncadd.s32 $0xFFFF8000  }
0xa8: {  	_ =	sfence.sel $0x180000  }
0xa9: {  	[bflag:$0x0] =	sbarrier.arrive $0xFFFF  }
0xaa: {  	_ =	strace $0x90000047  }
0xab: {  	s0 =	stileid.u32;
	[bflag:$0x2] =	sbarrier.arrive $0xFFFF  }
0xac: {  	p0 =	sne.s32 s0, $0x0;
	s0 =	rddreg [dreg:$0x3]  }
0xad: {  	s0 =	sadd.s32 @!p0 $0x100000, s0  }
0xae: {  	[sflag:s0] =	ssyncadd.tile.s32 @!p0 $0x1;
	_ =	shalt  }
.Lfunc_end2:
_tile_overlayer_lowered:
.L_overlay_start_2:
0xaf: {  	(tag) =	ssettag $0x2  }
0xb0: {  	s0 =	rddreg [dreg:$0x0];
	s2 =	stileid.u32  }
0xb1: {  	s1 =	rddreg [dreg:$0x1];
	p0 =	sne.s32 s2, $0x0  }
0xb2: {  	s3 =	rddreg [dreg:$0x2];
	[bflag:$0x3] =	sbarrier.arrive $0xFFFF;
	s2 =	simm.s32 @!p0 $0x1C02  }
0xb3: {  	[timem:s3], [sflag:s2] =	dma.local @!p0 [hbm:s0], s1  }
0xb4: {  	s0 =	simm.s32 @!p0 $0x2  }
0xb5: {  	_ =	swait.ge @!p0 [sflag:s0], s1  }
0xb6: {  	s1 =	ssub.s32 @!p0 $0x0, s1;
	[sflag:s0] =	ssyncset.done @!p0 $0x0  }
0xb7: {  	[sflag:s0] =	ssyncadd.s32 @!p0 s1  }
0xb8: {  	[bflag:$0x3] =	sbarrier.arrive $0xFFFF  }
0xb9: {  	_ =	shalt  }

// kernel: kernel.46.cloned.1.call-start
scs
__scs_entry_jumppad:
0x0: {  	(pc) =	sbr.rel $0x88, $3  }
0x1: {  	(tag) =	ssettag $0x0;
	lr =	simm.s32 $0x1  }
0x2: {  	[smem:$0x3F8F] =	sst lr;
	_ =	strace $0xD0000000  }
0x3: {  	_ = 	snop  }
0x4: {  	_ = 	snop  }
0x5: {  	_ = 	snop  }
0x6: {  	_ = 	snop  }
0x7: {  	_ = 	snop  }
__scs_overlays_trampoline_lowered:
0x8: {  	[smem:$0x3F9E] =	sst s0  }
0x9: {  	[smem:$0x3F9F] =	sst s1  }
0xa: {  	[smem:$0x3FA0] =	sst s2  }
0xb: {  	[smem:$0x3FA1] =	sst s3  }
0xc: {  	[smem:$0x3FA2] =	sst s4  }
0xd: {  	[smem:$0x3FA3] =	sst s5  }
0xe: {  	[smem:$0x3FA4] =	sst s6  }
0xf: {  	[smem:$0x3FA5] =	sst s7  }
0x10: {  	[smem:$0x3FA6] =	sst s8  }
0x11: {  	[smem:$0x3FA7] =	sst s9;
	s0 =	simm.s32 @!p0 $0x0  }
0x12: {  	s1 =	sld [smem:$0x3F8D];
	s0 =	simm.s32 @p0 $0x1  }
0x13: {  	[smem:$0x3FA8] =	sst s0;
	s0 =	simm.s32 @!p1 $0x0  }
0x14: {  	s2 =	sld [smem:$0x3F8C];
	s0 =	simm.s32 @p1 $0x1  }
0x15: {  	[smem:$0x3FA9] =	sst s0;
	s0 =	simm.s32 @!p2 $0x0  }
0x16: {  	s3 =	sld [smem:$0x3FDB];
	s0 =	simm.s32 @p2 $0x1  }
0x17: {  	s4 =	simm.s32 $0x1BF5;
	[smem:$0x3FAB] =	sst s0  }
0x18: {  	s0 =	sld [smem:$0x3F8E];
	_ =	swait.ge [sflag:s4], $0x0  }
0x19: {  	s7 =	sld [smem:$0x3F8F]  }
0x1a: {  	s8 =	sadd.s32 $0xFFFFE003, lr  }
0x1b: {  	s9 =	sadd.s32 $0xFFFFFEF7, lr;
	s5 =	simm.s32 $0xFFFFFFFF;
	p2 =	slt.u32 s8, $0xFFFFF086  }
0x1c: {  	p1 =	slt.u32 s9, $0xF7A;
	s5 =	simm.s32 @!p2 $0x0  }
0x1d: {  	s5 =	simm.s32 @p1 $0x1;
	p0 =	seq.s32 s7, s2  }
0x1e: {  	s7 =	smul.u32 @!p0 $0xF7A, s2;
	p2 =	seq.s32 @!p0 s5, $0x0  }
0x1f: {  	s9 =	smul.u32 $0xF7A, s1;
	s8 =	simm.s32 @!p0 $0x1BF5;
	p2 =	por !p2, p0  }
0x20: {  	[sflag:s8] =	ssyncset.s32 @!p0 $0xFFFFF086;
	s6 =	sadd.s32 @!p0 s3, s7;
	s7 =	simm.s32 @!p0 $0x108  }
0x21: {  	s3 =	sadd.s32 s3, s9;
	s6 =	sadd.s32 @!p0 $0x88, s6;
	s7 =	simm.s32 @p2 $0x1082  }
0x22: {  	[simem:s7], [sflag:s8] =	dma.local @!p0 [hbm:s6], $0xF7A  }
0x23: {  	s9 =	sor.u32 $0xD0000000, s2;
	s6 =	simm.s32 $0x108;
	_ =	swait.ge @!p0 [sflag:s8], $0x0  }
0x24: {  	s3 =	sadd.s32 $0x88, s3;
	s6 =	simm.s32 @!p1 $0x1082;
	[sflag:s4] =	ssyncset.s32 $0xFFFFF086  }
0x25: {  	[simem:s6], [sflag:s4] =	dma.local [hbm:s3], $0xF7A  }
0x26: {  	[smem:$0x3F8F] =	sst s1;
	(tag) =	ssettag s2;
	_ =	strace s9  }
0x27: {  	s1 =	sld [smem:$0x3F9F]  }
0x28: {  	s2 =	sld [smem:$0x3FA0]  }
0x29: {  	s4 =	sld [smem:$0x3FA2]  }
0x2a: {  	p0 =	seq.s32 s5, $0x0;
	s5 =	sld [smem:$0x3FA3]  }
0x2b: {  	s6 =	sld [smem:$0x3FA4]  }
0x2c: {  	s7 =	sld [smem:$0x3FA5]  }
0x2d: {  	s3 =	simm.s32 $0x108;
	s8 =	sld [smem:$0x3FA6]  }
0x2e: {  	s3 =	simm.s32 @!p0 $0x1082;
	s9 =	sld [smem:$0x3FA7]  }
0x2f: {  	lr =	sadd.s32 s0, s3;
	s0 =	sld [smem:$0x3F9E]  }
0x30: {  	s3 =	sld [smem:$0x3FA1]  }
0x31: {  	[smem:$0x3FAA] =	sst s10  }
0x32: {  	s10 =	sld [smem:$0x3FA8];
	_ =	sdelay $0x3  }
0x33: {  	p0 =	seq.s32 s10, $0x1;
	s10 =	sld [smem:$0x3FAA];
	_ =	sdelay $0x3  }
0x34: {  	[smem:$0x3FAA] =	sst s10  }
0x35: {  	s10 =	sld [smem:$0x3FA9];
	_ =	sdelay $0x3  }
0x36: {  	p1 =	seq.s32 s10, $0x1;
	s10 =	sld [smem:$0x3FAA];
	_ =	sdelay $0x3  }
0x37: {  	[smem:$0x3FAA] =	sst s10  }
0x38: {  	s10 =	sld [smem:$0x3FAB]  }
0x39: {  	_ = 	snop;
	(pc) =	sbr.ind lr, $3  }
0x3a: {  	_ = 	snop  }
0x3b: {  	_ = 	snop  }
0x3c: {  	p2 =	seq.s32 s10, $0x1;
	s10 =	sld [smem:$0x3FAA]  }
0x3d: {  	_ =	shalt  }
0x3e: {  	_ =	shalt  }
0x3f: {  	_ =	shalt  }
0x40: {  	_ =	shalt  }
0x41: {  	_ =	shalt  }
0x42: {  	_ =	shalt  }
0x43: {  	_ =	shalt  }
0x44: {  	_ =	shalt  }
0x45: {  	_ =	shalt  }
0x46: {  	_ =	shalt  }
0x47: {  	_ =	shalt  }
0x48: {  	_ =	shalt  }
0x49: {  	_ =	shalt  }
0x4a: {  	_ =	shalt  }
0x4b: {  	_ =	shalt  }
0x4c: {  	_ =	shalt  }
0x4d: {  	_ =	shalt  }
0x4e: {  	_ =	shalt  }
0x4f: {  	_ =	shalt  }
0x50: {  	_ =	shalt  }
0x51: {  	_ =	shalt  }
0x52: {  	_ =	shalt  }
0x53: {  	_ =	shalt  }
0x54: {  	_ =	shalt  }
0x55: {  	_ =	shalt  }
0x56: {  	_ =	shalt  }
0x57: {  	_ =	shalt  }
0x58: {  	_ =	shalt  }
0x59: {  	_ =	shalt  }
0x5a: {  	_ =	shalt  }
0x5b: {  	_ =	shalt  }
0x5c: {  	_ =	shalt  }
0x5d: {  	_ =	shalt  }
0x5e: {  	_ =	shalt  }
0x5f: {  	_ =	shalt  }
0x60: {  	_ =	shalt  }
0x61: {  	_ =	shalt  }
0x62: {  	_ =	shalt  }
0x63: {  	_ =	shalt  }
0x64: {  	_ =	shalt  }
0x65: {  	_ =	shalt  }
0x66: {  	_ =	shalt  }
0x67: {  	_ =	shalt  }
0x68: {  	_ =	shalt  }
0x69: {  	_ =	shalt  }
0x6a: {  	_ =	shalt  }
0x6b: {  	_ =	shalt  }
0x6c: {  	_ =	shalt  }
0x6d: {  	_ =	shalt  }
0x6e: {  	_ =	shalt  }
0x6f: {  	_ =	shalt  }
0x70: {  	_ =	shalt  }
0x71: {  	_ =	shalt  }
0x72: {  	_ =	shalt  }
0x73: {  	_ =	shalt  }
0x74: {  	_ =	shalt  }
0x75: {  	_ =	shalt  }
0x76: {  	_ =	shalt  }
0x77: {  	_ =	shalt  }
0x78: {  	_ =	shalt  }
0x79: {  	_ =	shalt  }
0x7a: {  	_ =	shalt  }
0x7b: {  	_ =	shalt  }
0x7c: {  	_ =	shalt  }
0x7d: {  	_ =	shalt  }
0x7e: {  	_ =	shalt  }
0x7f: {  	_ =	shalt  }
0x80: {  	_ =	shalt  }
0x81: {  	_ =	shalt  }
0x82: {  	_ =	shalt  }
0x83: {  	_ =	shalt  }
0x84: {  	_ =	shalt  }
0x85: {  	_ =	shalt  }
0x86: {  	_ =	shalt  }
0x87: {  	_ =	shalt  }
.Lfunc_end0:
.L_simem_size_0:
called_computation.1_lowered:
.L_overlay_start_0:
0x88: {  	s2 =	sld [smem:$0x3FD9]  }
0x89: {  	s3 =	sld [smem:$0x3FFE];
	_ =	sdelay $0x1  }
0x8a: {  	s1 =	srdreg.scid  }
0x8b: {  	s0 =	sand.u32 $0x1, s1  }
0x8c: {  	s14 =	sshll.u32 s0, $0xA;
	s2 =	sadd.s32 s3, s2  }
0x8d: {  	s2 =	sadd.s32 s2, s14  }
0x8e: {  	[smem:$0x3FB6] =	sst s2  }
0x8f: {  	_ = 	snop  }
0x90: {  	s2 =	sld [smem:$0x3FD0];
	_ =	sdelay $0x2  }
0x91: {  	s15 =	simm.s32 $0xA;
	s4 =	simm.s32 $0x10  }
0x92: {  	[smem:s4], [sflag:s15] =	dma.local [hbm:s2], $0x1  }
0x93: {  	_ =	swait.eq [sflag:s15], $0x1  }
0x94: {  	[sflag:s15] =	ssyncset.done $0x0  }
0x95: {  	s16 =	sld [smem:$0x10];
	[sflag:s15] =	ssyncadd.s32 $0xFFFFFFFF  }
0x96: {  	s17 =	sld [smem:$0x15];
	(tm) =	ssettm $0x1  }
0x97: {  	s18 =	sld [smem:$0x3FFB];
	_ =	sdelay $0x3  }
0x98: {  	_ =	strace s18  }
0x99: {  	s4 =	sld [smem:$0x3FFC];
	_ =	sdelay $0x3  }
0x9a: {  	_ =	strace s4  }
0x9b: {  	s4 =	sld [smem:$0x3FFD];
	_ =	sdelay $0x3  }
0x9c: {  	_ =	strace s4  }
0x9d: {  	_ =	strace $0x8FFFFFFF  }
0x9e: {  	s19 =	sld [smem:$0x3FDB];
	_ =	sdelay $0x1  }
0x9f: {  	s5 =	simm.s32 $_scs_section_size  }
0xa0: {  	s6 =	simm.s32 $_size__tile_overlayer_lowered;
	s7 =	simm.s32 $_tile_overlayer_lowered  }
0xa1: {  	s22 =	simm.s32 $0x1BFF;
	s21 =	sshll.u32 s7, $0x1;
	s4 =	sadd.s32 s5, s19  }
0xa2: {  	s8 =	simm.s32 $0x0;
	s20 =	sshll.u32 s6, $0x1;
	s6 =	sadd.s32 s21, s4  }
0xa3: {  	[timem:s8], [sflag:s22] =	dma.local [hbm:s6], s20  }
0xa4: {  	_ =	swait.ge [sflag:s22], s20  }
0xa5: {  	s5 =	ssub.s32 $0x0, s20;
	[sflag:s22] =	ssyncset.done $0x0  }
0xa6: {  	[sflag:s22] =	ssyncadd.s32 s5;
	_ =	sdelay $0x1  }
0xa7: {  	s23 =	simm.s32 $0x1B8B  }
0xa8: {  	_ =	swait.ge [sflag:s23], $0x1  }
0xa9: {  	[sflag:s23] =	ssyncset.done $0x0  }
0xaa: {  	s25 =	simm.s32 $0x1B8E;
	s24 =	sld [smem:$0x3FFE];
	[sflag:s23] =	ssyncadd.s32 $0xFFFFFFFF  }
0xab: {  	s26 =	simm.s32 $execute0_lowered;
	[smem:$0x3FD2] =	sst s25  }
0xac: {  	s6 =	sshll.u32 s26, $0x1;
	_ =	strace $0x80000049;
	[dreg:$0x1] =	wrdreg $0xFFFFFFFF  }
0xad: {  	s28 =	simm.s32 $_size_execute0_lowered;
	s4 =	sadd.s32 s4, s6;
	[dreg:$0x0] =	wrdreg $0x0  }
0xae: {  	s6 =	sshll.u32 s28, $0x1;
	[dreg:$0x2] =	wrdreg s4  }
0xaf: {  	[dreg:$0x3] =	wrdreg s6  }
0xb0: {  	[dreg:$0x4] =	wrdreg $0xC0  }
0xb1: {  	_ =	task [dreg:s8], $0x5FFFF  }
0xb2: {  	[dreg:$0x1] =	wrdreg $0xFFFFFFFF  }
0xb3: {  	[dreg:$0x0] =	wrdreg $0x60  }
0xb4: {  	[dreg:$0x2] =	wrdreg s17  }
0xb5: {  	[dreg:$0x3] =	wrdreg s16  }
0xb6: {  	[dreg:$0x4] =	wrdreg s24  }
0xb7: {  	[dreg:$0x5] =	wrdreg $0x9  }
0xb8: {  	_ =	task.clear_ibuf [dreg:s8], $0x6FFFF;
	_ =	strace $0x90000049  }
0xb9: {  	s29 =	simm.s32 $0x9;
	_ =	strace $0x8000004B  }
0xba: {  	_ =	swait.ge [sflag:s29], $0x1  }
0xbb: {  	[sflag:s29] =	ssyncadd.s32 $0xFFFFFFFF  }
0xbc: {  	_ =	strace $0x9000004B  }
0xbd: {  	_ =	sfence  }
0xbe: {  	s30 =	sld [smem:$0x0];
	_ =	sdelay $0x2  }
0xbf: {  	s31 =	sshll.u32 s1, $0xD;
	s1 =	sshrl.u32 s1, $0x2  }
0xc0: {  	s3 =	sand.u32 $0x4000, s31;
	s1 =	sadd.s32 s1, s30  }
0xc1: {  	s0 =	sor.u32 s3, s0;
	s1 =	sshll.u32 s1, $0x11  }
0xc2: {  	s0 =	sor.u32 s1, s0  }
0xc3: {  	s0 =	sadd.s32 $0x8F2B, s0  }
0xc4: {  	[sflag:s0] =	ssyncadd.remote.s32 $0x1  }
0xc5: {  	_ =	sfence.sel $0xFFFF  }
0xc6: {  	[dreg:$0x0] =	wrdreg $0xFFFFFFFF;
	(pc) =	sbr.abs _section_cstart, $3  }
0xc7: {  	[dreg:$0x1] =	wrdreg $0xFFFFFFFF  }
0xc8: {  	_ =	task.clear_ibuf [dreg:s8], $0x2FFFF;
	_ =	strace $0x9FFFFFFF  }
0xc9: {  	(tm) =	ssettm $0x7FFFFFFF  }
tec
execute0_lowered:
.L_overlay_start_1:
0x0: {  	(tag) =	ssettag $0x1  }
0x1: {  	s1 =	rddreg [dreg:$0x0]  }
0x2: {  	s4 =	rddreg [dreg:$0x1]  }
0x3: {  	s5 =	rddreg [dreg:$0x2]  }
0x4: {  	s0 =	rddreg [dreg:$0x3];
	s3 =	simm.s32 $0x0;
	s6 =	srdreg.scid  }
0x5: {  	s2 =	stileid.u32;
	s15 =	simm.s32 $0x80;
	s16 =	simm.s32 $0x880  }
0x6: {  	s17 =	simm.s32 $0x1080;
	s18 =	simm.s32 $0x1880;
	s19 =	simm.s32 $0x2080  }
0x7: {  	s20 =	simm.s32 $0x2880;
	s21 =	simm.s32 $0x3080;
	s22 =	simm.s32 $0x3880  }
0x8: {  	s23 =	simm.s32 $0x1;
	s24 =	simm.s32 $0x0;
	[smem:$0x7FF] =	sst s3  }
0x9: {  	s11 =	sand.u32 $0x1, s6;
	s30 =	sshll.u32 s2, $0x6;
	s8 =	sshll.u32 s2, $0xE  }
0xa: {  	s10 =	sadd.s32 $0x600, s1;
	_ =	strace $0x8000004A;
	s7 =	sshll.u32 s11, $0x5  }
0xb: {  	s9 =	ssub.s32 $0x2, s11;
	s13 =	sadd.s32 s8, s5;
	s5 =	sadd.s32 $0x100, s1  }
0xc: {  	s8 =	sadd.s32 $0x400, s1;
	s14 =	sshll.u32 s11, $0xD;
	s11 =	sadd.s32 $0x700, s1  }
0xd: {  	s6 =	sor.u32 s7, s30;
	s31 =	sshrl.u32 s9, $0x1;
	s7 =	sadd.s32 $0x300, s1  }
0xe: {  	v0 =	vlaneseq.u32;
	s13 =	sadd.s32 s14, s13;
	s14 =	simm.s32 $0x2;
	s6 =	sshrl.u32 s6, $0x3  }
0xf: {  	v1 =	vshrl.u32 v0, $0x3;
	s12 =	ssub.s32 s9, s31;
	s9 =	sadd.s32 $0x500, s1;
	s13 =	sadd.s32 $0x105000, s13  }
0x10: {  	vm0 =	vmmov $0xffff;
	v0 =	vand.u32 $0x7, v0;
	v1 =	vmul.u32 $0x8, v1;
	s4 =	sadd.s32 s4, s6;
	s6 =	sadd.s32 $0x200, s1;
	s12 =	smax.u32 s12, $0x1  }
.LBB2_1:
0x11: {  	[tilespmem:s3], [sflag:$0x2] =	stream.linear.gather [hbm4b:s4+s3], $0x20, $0x38;
	[tilespmem:$0x4080] =	vst v63  }
0x12: {  	_ =	swait.ge [sflag:s14], $0x20  }
0x13: {  	[sflag:s14] =	ssyncset.done $0x0  }
0x14: {  	s25 =	simm.s32 $0x0;
	[sflag:s14] =	ssyncadd.s32 $0xFFFFFFE0  }
0x15: {  	v2 =	vld.msk [tilespmem:s25+$0x0], $0xff;
	_ =	sdelay $0x4  }
0x16: {  	v3 =	vshll.u32 v2, $0x4  }
0x17: {  	v2 =	vand.u32 $0x7, v2;
	v3 =	vand.u32 $0xFFFFFF80, v3  }
0x18: {  	v2 =	vor.u32 v2, v3  }
0x19: {  	v2 =	vperm.xlane v2, v0;
	_ =	sdelay $0x1  }
0x1a: {  	v2 =	vadd.s32 v1, v2;
	_ =	sdelay $0x4  }
0x1b: {  	[tilespmem:s15], [sflag:$0x1] =	stream.indirect_vreg.gather [hbm4b:s1+s3], $0x80, v2, vm0, $0xb8;
	[tilespmem:$0x4080] =	vst v63  }
0x1c: {  	_ = 	snop  }
0x1d: {  	[tilespmem:s16], [sflag:$0x1] =	stream.indirect_vreg.gather [hbm4b:s5+s3], $0x80, v2, vm0, $0xb8;
	[tilespmem:$0x4080] =	vst v63  }
0x1e: {  	_ = 	snop  }
0x1f: {  	[tilespmem:s17], [sflag:$0x1] =	stream.indirect_vreg.gather [hbm4b:s6+s3], $0x80, v2, vm0, $0xb8;
	[tilespmem:$0x4080] =	vst v63  }
0x20: {  	_ = 	snop  }
0x21: {  	[tilespmem:s18], [sflag:$0x1] =	stream.indirect_vreg.gather [hbm4b:s7+s3], $0x80, v2, vm0, $0xb8;
	[tilespmem:$0x4080] =	vst v63  }
0x22: {  	_ = 	snop  }
0x23: {  	[tilespmem:s19], [sflag:$0x1] =	stream.indirect_vreg.gather [hbm4b:s8+s3], $0x80, v2, vm0, $0xb8;
	[tilespmem:$0x4080] =	vst v63  }
0x24: {  	_ = 	snop  }
0x25: {  	[tilespmem:s20], [sflag:$0x1] =	stream.indirect_vreg.gather [hbm4b:s9+s3], $0x80, v2, vm0, $0xb8;
	[tilespmem:$0x4080] =	vst v63  }
0x26: {  	_ = 	snop  }
0x27: {  	[tilespmem:s21], [sflag:$0x1] =	stream.indirect_vreg.gather [hbm4b:s10+s3], $0x80, v2, vm0, $0xb8;
	[tilespmem:$0x4080] =	vst v63  }
0x28: {  	_ = 	snop  }
0x29: {  	[tilespmem:s22], [sflag:$0x1] =	stream.indirect_vreg.gather [hbm4b:s11+s3], $0x80, v2, vm0, $0xb8;
	[tilespmem:$0x4080] =	vst v63  }
0x2a: {  	_ =	swait.ge [sflag:s23], $0x4000  }
0x2b: {  	[sflag:s23] =	ssyncset.done $0x0  }
0x2c: {  	[sflag:s23] =	ssyncadd.s32 $0xFFFFC000  }
0x2d: {  	[hbm4b:s13+s3] =	stream.linear.scatter [tilespmem:s15], [sflag:$0x2], $0x4000, $0x38;
	[tilespmem:$0x4080] =	vst v63  }
0x2e: {  	s26 =	simm.s32 $0x20;
	_ =	swait.ge [sflag:s14], $0x4000  }
0x2f: {  	s28 =	simm.s32 $0x40;
	s25 =	sadd.s32 $0x800, s13;
	[sflag:s14] =	ssyncset.done $0x0  }
.LBB2_2:
0x30: {  	s29 =	sshra.s32 s26, $0x2  }
0x31: {  	[sflag:s14] =	ssyncadd.s32 $0xFFFFC000;
	s26 =	smov.u32 s28;
	s30 =	sadd.s32 $0x20, s28  }
0x32: {  	p0 =	sne.s32 s28, $0x60;
	v2 =	vld.msk [tilespmem:s29+$0x0], $0xff;
	_ =	sdelay $0x4  }
0x33: {  	v3 =	vshll.u32 v2, $0x4  }
0x34: {  	v2 =	vand.u32 $0x7, v2;
	v3 =	vand.u32 $0xFFFFFF80, v3  }
0x35: {  	v2 =	vor.u32 v2, v3  }
0x36: {  	v2 =	vperm.xlane v2, v0;
	_ =	sdelay $0x1  }
0x37: {  	v2 =	vadd.s32 v1, v2;
	_ =	sdelay $0x4  }
0x38: {  	[tilespmem:s15], [sflag:$0x1] =	stream.indirect_vreg.gather [hbm4b:s1+s3], $0x80, v2, vm0, $0xb8;
	[tilespmem:$0x4080] =	vst v63  }
0x39: {  	_ = 	snop  }
0x3a: {  	[tilespmem:s16], [sflag:$0x1] =	stream.indirect_vreg.gather [hbm4b:s5+s3], $0x80, v2, vm0, $0xb8;
	[tilespmem:$0x4080] =	vst v63  }
0x3b: {  	_ = 	snop  }
0x3c: {  	[tilespmem:s17], [sflag:$0x1] =	stream.indirect_vreg.gather [hbm4b:s6+s3], $0x80, v2, vm0, $0xb8;
	[tilespmem:$0x4080] =	vst v63  }
0x3d: {  	_ = 	snop  }
0x3e: {  	[tilespmem:s18], [sflag:$0x1] =	stream.indirect_vreg.gather [hbm4b:s7+s3], $0x80, v2, vm0, $0xb8;
	[tilespmem:$0x4080] =	vst v63  }
0x3f: {  	_ = 	snop  }
0x40: {  	[tilespmem:s19], [sflag:$0x1] =	stream.indirect_vreg.gather [hbm4b:s8+s3], $0x80, v2, vm0, $0xb8;
	[tilespmem:$0x4080] =	vst v63  }
0x41: {  	_ = 	snop  }
0x42: {  	[tilespmem:s20], [sflag:$0x1] =	stream.indirect_vreg.gather [hbm4b:s9+s3], $0x80, v2, vm0, $0xb8;
	[tilespmem:$0x4080] =	vst v63  }
0x43: {  	_ = 	snop  }
0x44: {  	[tilespmem:s21], [sflag:$0x1] =	stream.indirect_vreg.gather [hbm4b:s10+s3], $0x80, v2, vm0, $0xb8;
	[tilespmem:$0x4080] =	vst v63  }
0x45: {  	_ = 	snop  }
0x46: {  	[tilespmem:s22], [sflag:$0x1] =	stream.indirect_vreg.gather [hbm4b:s11+s3], $0x80, v2, vm0, $0xb8;
	[tilespmem:$0x4080] =	vst v63  }
0x47: {  	_ =	swait.ge [sflag:s23], $0x4000  }
.Ltmp0:
0x48: {  	[sflag:s23] =	ssyncset.done $0x0;
	(pc) =	sbr.rel @p0 .LBB2_2-.Ltmp0, $4  }
0x49: {  	[sflag:s23] =	ssyncadd.s32 $0xFFFFC000  }
0x4a: {  	[hbm4b:s25+s3] =	stream.linear.scatter [tilespmem:s15], [sflag:$0x2], $0x4000, $0x38;
	[tilespmem:$0x4080] =	vst v63  }
0x4b: {  	_ =	swait.ge [sflag:s14], $0x4000  }
0x4c: {  	s28 =	smov.u32 s30;
	s25 =	sadd.s32 $0x800, s25;
	[sflag:s14] =	ssyncset.done $0x0  }
0x4d: {  	s26 =	sshra.s32 s26, $0x2;
	[sflag:s14] =	ssyncadd.s32 $0xFFFFC000  }
0x4e: {  	v2 =	vld.msk [tilespmem:s26+$0x0], $0xff;
	_ =	sdelay $0x4  }
0x4f: {  	v3 =	vshll.u32 v2, $0x4  }
0x50: {  	v2 =	vand.u32 $0x7, v2;
	v3 =	vand.u32 $0xFFFFFF80, v3  }
0x51: {  	v2 =	vor.u32 v2, v3  }
0x52: {  	v2 =	vperm.xlane v2, v0;
	_ =	sdelay $0x1  }
0x53: {  	v2 =	vadd.s32 v1, v2;
	_ =	sdelay $0x4  }
0x54: {  	[tilespmem:s15], [sflag:$0x1] =	stream.indirect_vreg.gather [hbm4b:s1+s3], $0x80, v2, vm0, $0xb8;
	[tilespmem:$0x4080] =	vst v63  }
0x55: {  	_ = 	snop  }
0x56: {  	[tilespmem:s16], [sflag:$0x1] =	stream.indirect_vreg.gather [hbm4b:s5+s3], $0x80, v2, vm0, $0xb8;
	[tilespmem:$0x4080] =	vst v63  }
0x57: {  	_ = 	snop  }
0x58: {  	[tilespmem:s17], [sflag:$0x1] =	stream.indirect_vreg.gather [hbm4b:s6+s3], $0x80, v2, vm0, $0xb8;
	[tilespmem:$0x4080] =	vst v63  }
0x59: {  	_ = 	snop  }
0x5a: {  	[tilespmem:s18], [sflag:$0x1] =	stream.indirect_vreg.gather [hbm4b:s7+s3], $0x80, v2, vm0, $0xb8;
	[tilespmem:$0x4080] =	vst v63  }
0x5b: {  	_ = 	snop  }
0x5c: {  	[tilespmem:s19], [sflag:$0x1] =	stream.indirect_vreg.gather [hbm4b:s8+s3], $0x80, v2, vm0, $0xb8;
	[tilespmem:$0x4080] =	vst v63  }
0x5d: {  	_ = 	snop  }
0x5e: {  	[tilespmem:s20], [sflag:$0x1] =	stream.indirect_vreg.gather [hbm4b:s9+s3], $0x80, v2, vm0, $0xb8;
	[tilespmem:$0x4080] =	vst v63  }
0x5f: {  	_ = 	snop  }
0x60: {  	[tilespmem:s21], [sflag:$0x1] =	stream.indirect_vreg.gather [hbm4b:s10+s3], $0x80, v2, vm0, $0xb8;
	[tilespmem:$0x4080] =	vst v63  }
0x61: {  	_ = 	snop  }
0x62: {  	[tilespmem:s22], [sflag:$0x1] =	stream.indirect_vreg.gather [hbm4b:s11+s3], $0x80, v2, vm0, $0xb8;
	[tilespmem:$0x4080] =	vst v63  }
0x63: {  	s24 =	sadd.s32 $0x1, s24;
	_ =	swait.ge [sflag:s23], $0x4000  }
0x64: {  	p0 =	sne.s32 s24, s12;
	[sflag:s23] =	ssyncset.done $0x0  }
.Ltmp1:
0x65: {  	[sflag:s23] =	ssyncadd.s32 $0xFFFFC000;
	(pc) =	sbr.rel @p0 .LBB2_1-.Ltmp1, $4  }
0x66: {  	[hbm4b:s25+s3] =	stream.linear.scatter [tilespmem:s15], [sflag:$0x2], $0x4000, $0x38;
	[tilespmem:$0x4080] =	vst v63  }
0x67: {  	_ =	swait.ge [sflag:s14], $0x4000  }
0x68: {  	[sflag:s14] =	ssyncset.done $0x0  }
0x69: {  	[sflag:s14] =	ssyncadd.s32 $0xFFFFC000  }
0x6a: {  	_ =	sfence.sel $0x180000  }
0x6b: {  	[bflag:$0x0] =	sbarrier.arrive $0xFFFF  }
0x6c: {  	p0 =	sne.s32 s2, $0x0;
	_ =	strace $0x9000004A  }
0x6d: {  	s0 =	sadd.s32 @!p0 $0x100000, s0;
	[bflag:$0x2] =	sbarrier.arrive $0xFFFF  }
0x6e: {  	[sflag:s0] =	ssyncadd.tile.s32 @!p0 $0x1;
	_ =	shalt  }
.Lfunc_end2:
_tile_overlayer_lowered:
.L_overlay_start_2:
0x6f: {  	(tag) =	ssettag $0x2  }
0x70: {  	s0 =	rddreg [dreg:$0x0];
	s2 =	stileid.u32  }
0x71: {  	s1 =	rddreg [dreg:$0x1];
	p0 =	sne.s32 s2, $0x0  }
0x72: {  	s3 =	rddreg [dreg:$0x2];
	[bflag:$0x3] =	sbarrier.arrive $0xFFFF;
	s2 =	simm.s32 @!p0 $0x1C02  }
0x73: {  	[timem:s3], [sflag:s2] =	dma.local @!p0 [hbm:s0], s1  }
0x74: {  	s0 =	simm.s32 @!p0 $0x2  }
0x75: {  	_ =	swait.ge @!p0 [sflag:s0], s1  }
0x76: {  	s1 =	ssub.s32 @!p0 $0x0, s1;
	[sflag:s0] =	ssyncset.done @!p0 $0x0  }
0x77: {  	[sflag:s0] =	ssyncadd.s32 @!p0 s1  }
0x78: {  	[bflag:$0x3] =	sbarrier.arrive $0xFFFF  }
0x79: {  	_ =	shalt  }

</sc_bundles>
